<compile_context>
chip_gen: v7x
topology: tpu7x:2x2x1
jax: 0.10.2.dev20260603
libtpu: 0.0.44.dev20260713+nightly
codegen_flags: <defaults>
</compile_context>

<pallas_src>
import functools

import jax
import jax.numpy as jnp
from jax import lax
from jax.experimental import pallas as pl
from jax.experimental.pallas import tpu as pltpu
from jax.experimental.pallas import tpu_sc as plsc

B = 64
M = 16384
CW = 64
R = 8
K = 8
IN = 512
C = K * R + 1
CP = 72
IFACE = CW * R + CW + 2

BLK = 2048
NB = M // BLK

_NEG = -3e38
_INTERPRET = False


def _iface_body(x_ref, w_ref, b_ref, q_ref, wv_ref, g_ref):
    xi = lax.dot_general(
        x_ref[...], w_ref[...], (((1,), (1,)), ((), ())),
        preferred_element_type=jnp.float32) + b_ref[...]
    q_ref[...] = xi[:, : R * CW]
    wv_ref[...] = jnp.tanh(xi[:, R * CW : R * CW + CW])
    ig = jax.nn.sigmoid(xi[:, R * CW + CW : R * CW + CW + 1])
    wg = jax.nn.sigmoid(xi[:, R * CW + CW + 1 : R * CW + CW + 2])
    g_ref[...] = jnp.concatenate(
        [ig, wg, jnp.zeros((B, 14), jnp.float32)], axis=1)


def _iface(x, W, b):
    return pl.pallas_call(
        _iface_body,
        out_shape=(
            jax.ShapeDtypeStruct((B, R * CW), jnp.float32),
            jax.ShapeDtypeStruct((B, CW), jnp.float32),
            jax.ShapeDtypeStruct((B, 16), jnp.float32),
        ),
        interpret=_INTERPRET,
    )(x, W, b.reshape(1, IFACE))


def _scan_body(q_ref, mem_ref, idx_ref, s_scr):
    m = pl.program_id(1)
    mem = mem_ref[0]
    s_scr[m] = lax.dot_general(
        q_ref[0], mem, (((1,), (1,)), ((), ())),
        preferred_element_type=jnp.float32)

    @pl.when(m == NB - 1)
    def _():
        cv = jnp.concatenate([s_scr[i] for i in range(NB)], axis=1)
        lane = lax.broadcasted_iota(jnp.int32, (R, M), 1)
        ps = []
        for _ in range(K):
            mx = jnp.max(cv, axis=1, keepdims=True)
            pos = jnp.min(jnp.where(cv >= mx, lane, jnp.int32(1 << 30)),
                          axis=1, keepdims=True)
            ps.append(pos)
            cv = jnp.where(lane == pos, _NEG, cv)
        idx_ref[0] = jnp.concatenate(ps, axis=1)


def _scan(q3, memory):
    return pl.pallas_call(
        _scan_body,
        grid=(B, NB),
        in_specs=[
            pl.BlockSpec((1, R, CW), lambda b, m: (b, 0, 0)),
            pl.BlockSpec((1, BLK, CW), lambda b, m: (b, m, 0)),
        ],
        out_specs=[
            pl.BlockSpec((1, R, K), lambda b, m: (b, 0, 0)),
        ],
        out_shape=(
            jax.ShapeDtypeStruct((B, R, K), jnp.int32),
        ),
        scratch_shapes=[
            pltpu.VMEM((NB, R, BLK), jnp.float32),
        ],
        interpret=_INTERPRET,
    )(q3, memory)


_NC = 2
_NS = 16
_NW = _NC * _NS
_BPW = B // _NW

_SC_PARAMS = pltpu.CompilerParams(
    needs_layout_passes=False, use_tc_tiling_on_sc=False)


def _gather_body(pos_hbm, mem_hbm, vis_hbm, pos_v, vis_v, sem):
    wid = lax.axis_index("s") * _NC + lax.axis_index("c")
    for j in range(_BPW):
        b = wid * _BPW + j
        pltpu.sync_copy(pos_hbm.at[b], pos_v)
        pltpu.async_copy(mem_hbm.at[pos_v], vis_v, sem).wait()
        pltpu.sync_copy(vis_v, vis_hbm.at[b])


def _sc_gather(pos, mem2d):
    mesh = plsc.VectorSubcoreMesh(core_axis_name="c", subcore_axis_name="s")
    f = pl.kernel(
        _gather_body,
        out_type=jax.ShapeDtypeStruct((B, CP, CW), jnp.float32),
        mesh=mesh,
        scratch_types=[
            pltpu.VMEM((CP,), jnp.int32),
            pltpu.VMEM((CP, CW), jnp.float32),
            pltpu.SemaphoreType.DMA,
        ],
        compiler_params=_SC_PARAMS,
    )
    return f(pos, mem2d)


_ROWS_PER_TILE = B * M // _NW


_CCH = 512
_NCH = _ROWS_PER_TILE // _CCH


def _copy_scatter_body(pos_hbm, vn_hbm, mem_hbm, nm_hbm, pos_v, vn_v,
                       buf0, buf1, sem0, sem1, semw, sem):
    wid = lax.axis_index("s") * _NC + lax.axis_index("c")
    base = wid * _ROWS_PER_TILE
    bufs, sems = (buf0, buf1), (sem0, sem1)

    pltpu.async_copy(mem_hbm.at[pl.ds(base, _CCH)], buf0, sem0)

    def step(i, carry):
        for p in range(2):
            @pl.when(lax.rem(i, 2) == p)
            def _():
                pltpu.make_async_copy(
                    mem_hbm.at[pl.ds(base + i * _CCH, _CCH)],
                    bufs[p], sems[p]).wait()
                pltpu.async_copy(
                    bufs[p], nm_hbm.at[pl.ds(base + i * _CCH, _CCH)], semw)

                @pl.when(i + 1 < _NCH)
                def _():
                    pltpu.async_copy(
                        mem_hbm.at[pl.ds(base + (i + 1) * _CCH, _CCH)],
                        bufs[1 - p], sems[1 - p])

                pltpu.make_async_copy(
                    bufs[p], nm_hbm.at[pl.ds(base + i * _CCH, _CCH)],
                    semw).wait()
        return carry

    lax.fori_loop(0, _NCH, step, jnp.int32(0))

    for j in range(_BPW):
        b = wid * _BPW + j
        pltpu.sync_copy(pos_hbm.at[b], pos_v)
        pltpu.sync_copy(vn_hbm.at[b], vn_v)
        pltpu.async_copy(vn_v, nm_hbm.at[pos_v], sem).wait()


def _sc_copy_scatter(pos, vn, mem2d):
    mesh = plsc.VectorSubcoreMesh(core_axis_name="c", subcore_axis_name="s")
    f = pl.kernel(
        _copy_scatter_body,
        out_type=jax.ShapeDtypeStruct((B * M, CW), jnp.float32),
        mesh=mesh,
        scratch_types=[
            pltpu.VMEM((CP,), jnp.int32),
            pltpu.VMEM((CP, CW), jnp.float32),
            pltpu.VMEM((_CCH, CW), jnp.float32),
            pltpu.VMEM((_CCH, CW), jnp.float32),
            pltpu.SemaphoreType.DMA,
            pltpu.SemaphoreType.DMA,
            pltpu.SemaphoreType.DMA,
            pltpu.SemaphoreType.DMA,
        ],
        compiler_params=_SC_PARAMS,
    )
    return f(pos, vn, mem2d)


def _attn_body(q_ref, vis_ref, wv_ref, g_ref, rv_ref, vn_ref):
    q = q_ref[0]
    vis = vis_ref[0]
    s = lax.dot_general(
        q, vis, (((1,), (1,)), ((), ())),
        preferred_element_type=jnp.float32)
    cols = lax.broadcasted_iota(jnp.int32, (R, CP), 1)
    s = jnp.where(cols < C, s, _NEG)
    mx = jnp.max(s, axis=1, keepdims=True)
    e = jnp.exp(s - mx)
    e = jnp.where(cols < C, e, 0.0)
    w = e / jnp.sum(e, axis=1, keepdims=True)
    rv_ref[0] = lax.dot_general(
        w, vis, (((1,), (0,)), ((), ())),
        preferred_element_type=jnp.float32)

    gv = g_ref[0, 0]
    ig = gv[0]
    wg = gv[1]
    ww = wg * (ig * jnp.mean(w, axis=0) + (1.0 - ig) / C)
    wvec = wv_ref[0, 0]
    vn = (vis * (1.0 - ww[:, None]) + ww[:, None] * wvec[None, :])
    row_lru = vn[C - 1 : C, :]
    rows = lax.broadcasted_iota(jnp.int32, (CP, CW), 0)
    vn_ref[0] = jnp.where(rows < C, vn, row_lru)


def _attn(q3, vis, wv, g):
    return pl.pallas_call(
        _attn_body,
        grid=(B,),
        in_specs=[
            pl.BlockSpec((1, R, CW), lambda b: (b, 0, 0)),
            pl.BlockSpec((1, CP, CW), lambda b: (b, 0, 0)),
            pl.BlockSpec((1, 1, CW), lambda b: (b, 0, 0)),
            pl.BlockSpec((1, 1, 16), lambda b: (b, 0, 0)),
        ],
        out_specs=[
            pl.BlockSpec((1, R, CW), lambda b: (b, 0, 0)),
            pl.BlockSpec((1, CP, CW), lambda b: (b, 0, 0)),
        ],
        out_shape=(
            jax.ShapeDtypeStruct((B, R, CW), jnp.float32),
            jax.ShapeDtypeStruct((B, CP, CW), jnp.float32),
        ),
        interpret=_INTERPRET,
    )(q3, vis, wv.reshape(B, 1, CW), g.reshape(B, 1, 16))


def kernel(x, memory, W, b):
    q, wv, g = _iface(x, W, b)
    q3 = q.reshape(B, R, CW)
    (idx,) = _scan(q3, memory)

    idxf = idx.reshape(B, R * K)
    pos = jnp.concatenate(
        [idxf, jnp.zeros((B, CP - R * K), jnp.int32)], axis=1)
    pos = pos + (jnp.arange(B, dtype=jnp.int32) * M)[:, None]

    mem2d = memory.reshape(B * M, CW)
    vis = _sc_gather(pos, mem2d)
    rv, vn = _attn(q3, vis, wv, g)

    nm2d = _sc_copy_scatter(pos, vn, mem2d)
    return rv.reshape(B, R * CW), nm2d.reshape(B, M, CW)

# --- scband reference (transcript-rebuilt; emitter-appended) ---
"""Pipeline reference for scband-sparse-memory-25486335935179 (READ-ONLY COPY).

The authoritative reference and input builder live on the scoring server;
editing this copy changes nothing except your own understanding.
"""

import jax, jax.numpy as jnp
import numpy as np

B = 64
M = 16384
CW = 64
R = 8
K = 8
IN = 512
C = K * R + 1
IFACE = CW * R + CW + 1 + 1


def setup_inputs(seed: int = 0):
    key = jax.random.key(seed)
    k1, k2, k3 = jax.random.split(key, 3)
    x = jax.random.normal(k1, (B, IN), dtype=jnp.float32)
    memory = jax.random.normal(k2, (B, M, CW), dtype=jnp.float32) * 0.1
    W = jax.random.normal(k3, (IFACE, IN), dtype=jnp.float32) / np.sqrt(IN)
    b = jnp.zeros((IFACE,), dtype=jnp.float32)
    return {"x": x, "memory": memory, "W": W, "b": b}


def _forward(x, memory, W, b):
    Bn = x.shape[0]
    xi = x @ W.T + b
    read_queries = xi[:, : R * CW].reshape(Bn, R, CW)
    write_vector = jnp.tanh(xi[:, R * CW : R * CW + CW])
    interp_gate = jax.nn.sigmoid(xi[:, R * CW + CW : R * CW + CW + 1])
    write_gate = jax.nn.sigmoid(xi[:, -1:])
    # exact KNN over memory cells (replaces FAISS/FLANN approximate index)
    sim = jnp.einsum('brw,bmw->brm', read_queries, memory)
    _, idx = jax.lax.top_k(sim, K)  # [B, R, K]
    flat_idx = idx.reshape(Bn, R * K)
    # append least-used slot placeholder (c = K*r + 1)
    lru = jnp.zeros((Bn, 1), dtype=flat_idx.dtype)
    read_positions = jnp.concatenate([flat_idx, lru], axis=1)  # [B, C]
    visible = jnp.take_along_axis(memory, read_positions[:, :, None], axis=1)  # [B, C, CW]
    vis_sim = jnp.einsum('brw,bcw->brc', read_queries, visible)
    read_weights = jax.nn.softmax(vis_sim, axis=-1)  # [B, R, C]
    read_vectors = jnp.einsum('brc,bcw->brw', read_weights, visible)  # [B, R, CW]
    # interpolated write into visible cells, scattered back into full memory
    write_weights = write_gate * (interp_gate * read_weights.mean(axis=1) + (1.0 - interp_gate) / C)  # [B, C]
    visible_new = visible * (1.0 - write_weights[:, :, None]) + write_weights[:, :, None] * write_vector[:, None, :]
    new_memory = memory.at[jnp.arange(Bn)[:, None], read_positions].set(visible_new)
    return read_vectors.reshape(Bn, R * CW), new_memory


def reference(x, memory, W, b):
    return _forward(x, memory, W, b)

if __name__ == "__main__":
    import jax
    _d = setup_inputs()
    print(jax.jit(kernel)(*tuple(_d.values())))

</pallas_src>

<mosaic_0001>
#map = affine_map<(d0, d1) -> (0, 0)>
#map1 = affine_map<(d0, d1) -> (0, 0, 0)>
module attributes {stable_mosaic.version = 14 : i64} {
  func.func @_gather_body(%arg0: i32, %arg1: i32, %arg2: memref<64x72xi32, #tpu.memory_space<hbm>>, %arg3: memref<1048576x64xf32, #tpu.memory_space<hbm>>, %arg4: memref<64x72x64xf32, #tpu.memory_space<hbm>>, %arg5: memref<72xi32, #tpu.memory_space<vmem>>, %arg6: memref<72x64xf32, #tpu.memory_space<vmem>>, %arg7: memref<!tpu.dma_semaphore, #tpu.memory_space<semaphore_mem>>) attributes {dimension_semantics = [#tpu.dimension_semantics<core_parallel>, #tpu.dimension_semantics<subcore_parallel>], iteration_bounds = array<i64: 2, 16>, scalar_prefetch = 0 : i64, scratch_operands = 3 : i64, tpu.core_type = #tpu.core_type<sc_vector_subcore>, window_params = [{transform_indices = #map}, {transform_indices = #map}, {transform_indices = #map1}]} {
    %mul3A = arith.constant 2 : i32
    %mul3A_0 = arith.muli %arg1, %mul3A : i32
    %add3A = arith.addi %mul3A_0, %arg0 : i32
    %mul3A_1 = arith.constant 2 : i32
    %mul3A_2 = arith.muli %add3A, %mul3A_1 : i32
    %add3A_3 = arith.constant 0 : i32
    %add3A_4 = arith.addi %mul3A_2, %add3A_3 : i32
    "tpu.region"() ({
      %run_scoped3A = tpu.sem_alloc : memref<!tpu.dma_semaphore, #tpu.memory_space<semaphore_mem>>
      %dma_start3A_19 = arith.constant 0 : i32
      %dma_start3A_20 = tpu.memref_slice %arg2[%add3A_4, %dma_start3A_19] : memref<64x72xi32, #tpu.memory_space<hbm>> -> memref<1x72xi32, #tpu.memory_space<hbm>>
      %dma_start3A_21 = tpu.memref_squeeze %dma_start3A_20 : memref<1x72xi32, #tpu.memory_space<hbm>> -> memref<72xi32, #tpu.memory_space<hbm>>
      %dma_start3A_22 = arith.constant 0 : i32
      %dma_start3A_23 = tpu.memref_slice %arg2[%add3A_4, %dma_start3A_22] : memref<64x72xi32, #tpu.memory_space<hbm>> -> memref<1x72xi32, #tpu.memory_space<hbm>>
      %dma_start3A_24 = tpu.memref_squeeze %dma_start3A_23 : memref<1x72xi32, #tpu.memory_space<hbm>> -> memref<72xi32, #tpu.memory_space<hbm>>
      tpu.enqueue_dma source(%dma_start3A_24 : memref<72xi32, #tpu.memory_space<hbm>>) target(%arg5 : memref<72xi32, #tpu.memory_space<vmem>>) target_semaphore(%run_scoped3A : memref<!tpu.dma_semaphore, #tpu.memory_space<semaphore_mem>>)
      %dma_wait3A_25 = arith.constant 0 : i32
      %dma_wait3A_26 = tpu.memref_slice %arg2[%add3A_4, %dma_wait3A_25] : memref<64x72xi32, #tpu.memory_space<hbm>> -> memref<1x72xi32, #tpu.memory_space<hbm>>
      %dma_wait3A_27 = tpu.memref_squeeze %dma_wait3A_26 : memref<1x72xi32, #tpu.memory_space<hbm>> -> memref<72xi32, #tpu.memory_space<hbm>>
      %dma_wait3A_28 = arith.constant 0 : i32
      %dma_wait3A_29 = tpu.memref_slice %arg2[%add3A_4, %dma_wait3A_28] : memref<64x72xi32, #tpu.memory_space<hbm>> -> memref<1x72xi32, #tpu.memory_space<hbm>>
      %dma_wait3A_30 = tpu.memref_squeeze %dma_wait3A_29 : memref<1x72xi32, #tpu.memory_space<hbm>> -> memref<72xi32, #tpu.memory_space<hbm>>
      tpu.wait_dma2 semaphore(%run_scoped3A : memref<!tpu.dma_semaphore, #tpu.memory_space<semaphore_mem>>) src(%dma_wait3A_30 : memref<72xi32, #tpu.memory_space<hbm>>) dst(%arg5 : memref<72xi32, #tpu.memory_space<vmem>>)
      tpu.yield
    }) : () -> ()
    %dma_start3A = arith.constant 0 : i32
    %dma_start3A_5 = arith.constant 0 : i32
    %dma_start3A_6 = tpu.memref_slice %arg3[%dma_start3A, %dma_start3A_5] : memref<1048576x64xf32, #tpu.memory_space<hbm>> -> memref<1048576x64xf32, #tpu.memory_space<hbm>>
    tpu.enqueue_indirect_dma source(%dma_start3A_6 : memref<1048576x64xf32, #tpu.memory_space<hbm>>) target(%arg6 : memref<72x64xf32, #tpu.memory_space<vmem>>) offsets(%arg5 : memref<72xi32, #tpu.memory_space<vmem>>) semaphore(%arg7 : memref<!tpu.dma_semaphore, #tpu.memory_space<semaphore_mem>>)
    %dma_wait3A = arith.constant 0 : i32
    %dma_wait3A_7 = arith.constant 0 : i32
    %dma_wait3A_8 = tpu.memref_slice %arg3[%dma_wait3A, %dma_wait3A_7] : memref<1048576x64xf32, #tpu.memory_space<hbm>> -> memref<1048576x64xf32, #tpu.memory_space<hbm>>
    tpu.wait_indirect_dma semaphore(%arg7 : memref<!tpu.dma_semaphore, #tpu.memory_space<semaphore_mem>>) src(%dma_wait3A_8 : memref<1048576x64xf32, #tpu.memory_space<hbm>>) dst(%arg6 : memref<72x64xf32, #tpu.memory_space<vmem>>)
    "tpu.region"() ({
      %run_scoped3A = tpu.sem_alloc : memref<!tpu.dma_semaphore, #tpu.memory_space<semaphore_mem>>
      %dma_start3A_19 = arith.constant 0 : i32
      %dma_start3A_20 = arith.constant 0 : i32
      %dma_start3A_21 = tpu.memref_slice %arg4[%add3A_4, %dma_start3A_19, %dma_start3A_20] : memref<64x72x64xf32, #tpu.memory_space<hbm>> -> memref<1x72x64xf32, #tpu.memory_space<hbm>>
      %dma_start3A_22 = tpu.memref_squeeze %dma_start3A_21 : memref<1x72x64xf32, #tpu.memory_space<hbm>> -> memref<72x64xf32, #tpu.memory_space<hbm>>
      %dma_start3A_23 = arith.constant 0 : i32
      %dma_start3A_24 = arith.constant 0 : i32
      %dma_start3A_25 = tpu.memref_slice %arg4[%add3A_4, %dma_start3A_23, %dma_start3A_24] : memref<64x72x64xf32, #tpu.memory_space<hbm>> -> memref<1x72x64xf32, #tpu.memory_space<hbm>>
      %dma_start3A_26 = tpu.memref_squeeze %dma_start3A_25 : memref<1x72x64xf32, #tpu.memory_space<hbm>> -> memref<72x64xf32, #tpu.memory_space<hbm>>
      tpu.enqueue_dma source(%arg6 : memref<72x64xf32, #tpu.memory_space<vmem>>) target(%dma_start3A_26 : memref<72x64xf32, #tpu.memory_space<hbm>>) target_semaphore(%run_scoped3A : memref<!tpu.dma_semaphore, #tpu.memory_space<semaphore_mem>>)
      %dma_wait3A_27 = arith.constant 0 : i32
      %dma_wait3A_28 = arith.constant 0 : i32
      %dma_wait3A_29 = tpu.memref_slice %arg4[%add3A_4, %dma_wait3A_27, %dma_wait3A_28] : memref<64x72x64xf32, #tpu.memory_space<hbm>> -> memref<1x72x64xf32, #tpu.memory_space<hbm>>
      %dma_wait3A_30 = tpu.memref_squeeze %dma_wait3A_29 : memref<1x72x64xf32, #tpu.memory_space<hbm>> -> memref<72x64xf32, #tpu.memory_space<hbm>>
      %dma_wait3A_31 = arith.constant 0 : i32
      %dma_wait3A_32 = arith.constant 0 : i32
      %dma_wait3A_33 = tpu.memref_slice %arg4[%add3A_4, %dma_wait3A_31, %dma_wait3A_32] : memref<64x72x64xf32, #tpu.memory_space<hbm>> -> memref<1x72x64xf32, #tpu.memory_space<hbm>>
      %dma_wait3A_34 = tpu.memref_squeeze %dma_wait3A_33 : memref<1x72x64xf32, #tpu.memory_space<hbm>> -> memref<72x64xf32, #tpu.memory_space<hbm>>
      tpu.wait_dma2 semaphore(%run_scoped3A : memref<!tpu.dma_semaphore, #tpu.memory_space<semaphore_mem>>) src(%arg6 : memref<72x64xf32, #tpu.memory_space<vmem>>) dst(%dma_wait3A_34 : memref<72x64xf32, #tpu.memory_space<hbm>>)
      tpu.yield
    }) : () -> ()
    %mul3A_9 = arith.constant 2 : i32
    %mul3A_10 = arith.muli %add3A, %mul3A_9 : i32
    %add3A_11 = arith.constant 1 : i32
    %add3A_12 = arith.addi %mul3A_10, %add3A_11 : i32
    "tpu.region"() ({
      %run_scoped3A = tpu.sem_alloc : memref<!tpu.dma_semaphore, #tpu.memory_space<semaphore_mem>>
      %dma_start3A_19 = arith.constant 0 : i32
      %dma_start3A_20 = tpu.memref_slice %arg2[%add3A_12, %dma_start3A_19] : memref<64x72xi32, #tpu.memory_space<hbm>> -> memref<1x72xi32, #tpu.memory_space<hbm>>
      %dma_start3A_21 = tpu.memref_squeeze %dma_start3A_20 : memref<1x72xi32, #tpu.memory_space<hbm>> -> memref<72xi32, #tpu.memory_space<hbm>>
      %dma_start3A_22 = arith.constant 0 : i32
      %dma_start3A_23 = tpu.memref_slice %arg2[%add3A_12, %dma_start3A_22] : memref<64x72xi32, #tpu.memory_space<hbm>> -> memref<1x72xi32, #tpu.memory_space<hbm>>
      %dma_start3A_24 = tpu.memref_squeeze %dma_start3A_23 : memref<1x72xi32, #tpu.memory_space<hbm>> -> memref<72xi32, #tpu.memory_space<hbm>>
      tpu.enqueue_dma source(%dma_start3A_24 : memref<72xi32, #tpu.memory_space<hbm>>) target(%arg5 : memref<72xi32, #tpu.memory_space<vmem>>) target_semaphore(%run_scoped3A : memref<!tpu.dma_semaphore, #tpu.memory_space<semaphore_mem>>)
      %dma_wait3A_25 = arith.constant 0 : i32
      %dma_wait3A_26 = tpu.memref_slice %arg2[%add3A_12, %dma_wait3A_25] : memref<64x72xi32, #tpu.memory_space<hbm>> -> memref<1x72xi32, #tpu.memory_space<hbm>>
      %dma_wait3A_27 = tpu.memref_squeeze %dma_wait3A_26 : memref<1x72xi32, #tpu.memory_space<hbm>> -> memref<72xi32, #tpu.memory_space<hbm>>
      %dma_wait3A_28 = arith.constant 0 : i32
      %dma_wait3A_29 = tpu.memref_slice %arg2[%add3A_12, %dma_wait3A_28] : memref<64x72xi32, #tpu.memory_space<hbm>> -> memref<1x72xi32, #tpu.memory_space<hbm>>
      %dma_wait3A_30 = tpu.memref_squeeze %dma_wait3A_29 : memref<1x72xi32, #tpu.memory_space<hbm>> -> memref<72xi32, #tpu.memory_space<hbm>>
      tpu.wait_dma2 semaphore(%run_scoped3A : memref<!tpu.dma_semaphore, #tpu.memory_space<semaphore_mem>>) src(%dma_wait3A_30 : memref<72xi32, #tpu.memory_space<hbm>>) dst(%arg5 : memref<72xi32, #tpu.memory_space<vmem>>)
      tpu.yield
    }) : () -> ()
    %dma_start3A_13 = arith.constant 0 : i32
    %dma_start3A_14 = arith.constant 0 : i32
    %dma_start3A_15 = tpu.memref_slice %arg3[%dma_start3A_13, %dma_start3A_14] : memref<1048576x64xf32, #tpu.memory_space<hbm>> -> memref<1048576x64xf32, #tpu.memory_space<hbm>>
    tpu.enqueue_indirect_dma source(%dma_start3A_15 : memref<1048576x64xf32, #tpu.memory_space<hbm>>) target(%arg6 : memref<72x64xf32, #tpu.memory_space<vmem>>) offsets(%arg5 : memref<72xi32, #tpu.memory_space<vmem>>) semaphore(%arg7 : memref<!tpu.dma_semaphore, #tpu.memory_space<semaphore_mem>>)
    %dma_wait3A_16 = arith.constant 0 : i32
    %dma_wait3A_17 = arith.constant 0 : i32
    %dma_wait3A_18 = tpu.memref_slice %arg3[%dma_wait3A_16, %dma_wait3A_17] : memref<1048576x64xf32, #tpu.memory_space<hbm>> -> memref<1048576x64xf32, #tpu.memory_space<hbm>>
    tpu.wait_indirect_dma semaphore(%arg7 : memref<!tpu.dma_semaphore, #tpu.memory_space<semaphore_mem>>) src(%dma_wait3A_18 : memref<1048576x64xf32, #tpu.memory_space<hbm>>) dst(%arg6 : memref<72x64xf32, #tpu.memory_space<vmem>>)
    "tpu.region"() ({
      %run_scoped3A = tpu.sem_alloc : memref<!tpu.dma_semaphore, #tpu.memory_space<semaphore_mem>>
      %dma_start3A_19 = arith.constant 0 : i32
      %dma_start3A_20 = arith.constant 0 : i32
      %dma_start3A_21 = tpu.memref_slice %arg4[%add3A_12, %dma_start3A_19, %dma_start3A_20] : memref<64x72x64xf32, #tpu.memory_space<hbm>> -> memref<1x72x64xf32, #tpu.memory_space<hbm>>
      %dma_start3A_22 = tpu.memref_squeeze %dma_start3A_21 : memref<1x72x64xf32, #tpu.memory_space<hbm>> -> memref<72x64xf32, #tpu.memory_space<hbm>>
      %dma_start3A_23 = arith.constant 0 : i32
      %dma_start3A_24 = arith.constant 0 : i32
      %dma_start3A_25 = tpu.memref_slice %arg4[%add3A_12, %dma_start3A_23, %dma_start3A_24] : memref<64x72x64xf32, #tpu.memory_space<hbm>> -> memref<1x72x64xf32, #tpu.memory_space<hbm>>
      %dma_start3A_26 = tpu.memref_squeeze %dma_start3A_25 : memref<1x72x64xf32, #tpu.memory_space<hbm>> -> memref<72x64xf32, #tpu.memory_space<hbm>>
      tpu.enqueue_dma source(%arg6 : memref<72x64xf32, #tpu.memory_space<vmem>>) target(%dma_start3A_26 : memref<72x64xf32, #tpu.memory_space<hbm>>) target_semaphore(%run_scoped3A : memref<!tpu.dma_semaphore, #tpu.memory_space<semaphore_mem>>)
      %dma_wait3A_27 = arith.constant 0 : i32
      %dma_wait3A_28 = arith.constant 0 : i32
      %dma_wait3A_29 = tpu.memref_slice %arg4[%add3A_12, %dma_wait3A_27, %dma_wait3A_28] : memref<64x72x64xf32, #tpu.memory_space<hbm>> -> memref<1x72x64xf32, #tpu.memory_space<hbm>>
      %dma_wait3A_30 = tpu.memref_squeeze %dma_wait3A_29 : memref<1x72x64xf32, #tpu.memory_space<hbm>> -> memref<72x64xf32, #tpu.memory_space<hbm>>
      %dma_wait3A_31 = arith.constant 0 : i32
      %dma_wait3A_32 = arith.constant 0 : i32
      %dma_wait3A_33 = tpu.memref_slice %arg4[%add3A_12, %dma_wait3A_31, %dma_wait3A_32] : memref<64x72x64xf32, #tpu.memory_space<hbm>> -> memref<1x72x64xf32, #tpu.memory_space<hbm>>
      %dma_wait3A_34 = tpu.memref_squeeze %dma_wait3A_33 : memref<1x72x64xf32, #tpu.memory_space<hbm>> -> memref<72x64xf32, #tpu.memory_space<hbm>>
      tpu.wait_dma2 semaphore(%run_scoped3A : memref<!tpu.dma_semaphore, #tpu.memory_space<semaphore_mem>>) src(%arg6 : memref<72x64xf32, #tpu.memory_space<vmem>>) dst(%dma_wait3A_34 : memref<72x64xf32, #tpu.memory_space<hbm>>)
      tpu.yield
    }) : () -> ()
    return
  }
}

#map = affine_map<(d0, d1) -> (0, 0)>
#map1 = affine_map<(d0, d1) -> (0, 0, 0)>
module attributes {stable_mosaic.version = 14 : i64} {
  func.func @_copy_scatter_body(%arg0: i32, %arg1: i32, %arg2: memref<64x72xi32, #tpu.memory_space<hbm>>, %arg3: memref<64x72x64xf32, #tpu.memory_space<hbm>>, %arg4: memref<1048576x64xf32, #tpu.memory_space<hbm>>, %arg5: memref<1048576x64xf32, #tpu.memory_space<hbm>>, %arg6: memref<72xi32, #tpu.memory_space<vmem>>, %arg7: memref<72x64xf32, #tpu.memory_space<vmem>>, %arg8: memref<512x64xf32, #tpu.memory_space<vmem>>, %arg9: memref<512x64xf32, #tpu.memory_space<vmem>>, %arg10: memref<!tpu.dma_semaphore, #tpu.memory_space<semaphore_mem>>, %arg11: memref<!tpu.dma_semaphore, #tpu.memory_space<semaphore_mem>>, %arg12: memref<!tpu.dma_semaphore, #tpu.memory_space<semaphore_mem>>, %arg13: memref<!tpu.dma_semaphore, #tpu.memory_space<semaphore_mem>>) attributes {dimension_semantics = [#tpu.dimension_semantics<core_parallel>, #tpu.dimension_semantics<subcore_parallel>], iteration_bounds = array<i64: 2, 16>, scalar_prefetch = 0 : i64, scratch_operands = 8 : i64, tpu.core_type = #tpu.core_type<sc_vector_subcore>, window_params = [{transform_indices = #map}, {transform_indices = #map1}, {transform_indices = #map}, {transform_indices = #map}]} {
    %mul3A = arith.constant 2 : i32
    %mul3A_0 = arith.muli %arg1, %mul3A : i32
    %add3A = arith.addi %mul3A_0, %arg0 : i32
    %mul3A_1 = arith.constant 32768 : i32
    %mul3A_2 = arith.muli %add3A, %mul3A_1 : i32
    %dma_start3A = arith.constant 0 : i32
    %dma_start3A_3 = tpu.memref_slice %arg4[%mul3A_2, %dma_start3A] : memref<1048576x64xf32, #tpu.memory_space<hbm>> -> memref<512x64xf32, #tpu.memory_space<hbm>>
    %dma_start3A_4 = arith.constant 0 : i32
    %dma_start3A_5 = tpu.memref_slice %arg4[%mul3A_2, %dma_start3A_4] : memref<1048576x64xf32, #tpu.memory_space<hbm>> -> memref<512x64xf32, #tpu.memory_space<hbm>>
    tpu.enqueue_dma source(%dma_start3A_5 : memref<512x64xf32, #tpu.memory_space<hbm>>) target(%arg8 : memref<512x64xf32, #tpu.memory_space<vmem>>) target_semaphore(%arg10 : memref<!tpu.dma_semaphore, #tpu.memory_space<semaphore_mem>>)
    %scan3A = arith.constant 0 : i32
    %scan3A_6 = arith.constant 0 : i32
    %scan3A_7 = arith.constant 64 : i32
    %scan3A_8 = arith.addi %scan3A_6, %scan3A_7 : i32
    %scan3A_9 = arith.constant 1 : i32
    scf.for %scan3A_30 = %scan3A_6 to %scan3A_8 step %scan3A_9  : i32 {
      %rem3A = arith.constant 2 : i32
      %rem3A_31 = arith.remsi %scan3A_30, %rem3A : i32
      %eq3A = arith.constant 0 : i32
      %eq3A_32 = arith.cmpi eq, %rem3A_31, %eq3A : i32
      %convert_element_type3A = arith.extui %eq3A_32 : i1 to i32
      %cond3A = arith.constant 0 : i32
      %cond3A_33 = arith.cmpi ne, %convert_element_type3A, %cond3A : i32
      scf.if %cond3A_33 {
        %mul3A_41 = arith.constant 512 : i32
        %mul3A_42 = arith.muli %scan3A_30, %mul3A_41 : i32
        %add3A_43 = arith.addi %mul3A_2, %mul3A_42 : i32
        %dma_wait3A_44 = arith.constant 0 : i32
        %dma_wait3A_45 = tpu.memref_slice %arg4[%add3A_43, %dma_wait3A_44] : memref<1048576x64xf32, #tpu.memory_space<hbm>> -> memref<512x64xf32, #tpu.memory_space<hbm>>
        %dma_wait3A_46 = arith.constant 0 : i32
        %dma_wait3A_47 = tpu.memref_slice %arg4[%add3A_43, %dma_wait3A_46] : memref<1048576x64xf32, #tpu.memory_space<hbm>> -> memref<512x64xf32, #tpu.memory_space<hbm>>
        tpu.wait_dma2 semaphore(%arg10 : memref<!tpu.dma_semaphore, #tpu.memory_space<semaphore_mem>>) src(%dma_wait3A_47 : memref<512x64xf32, #tpu.memory_space<hbm>>) dst(%arg8 : memref<512x64xf32, #tpu.memory_space<vmem>>)
        %mul3A_48 = arith.constant 512 : i32
        %mul3A_49 = arith.muli %scan3A_30, %mul3A_48 : i32
        %add3A_50 = arith.addi %mul3A_2, %mul3A_49 : i32
        %dma_start3A_51 = arith.constant 0 : i32
        %dma_start3A_52 = tpu.memref_slice %arg5[%add3A_50, %dma_start3A_51] : memref<1048576x64xf32, #tpu.memory_space<hbm>> -> memref<512x64xf32, #tpu.memory_space<hbm>>
        %dma_start3A_53 = arith.constant 0 : i32
        %dma_start3A_54 = tpu.memref_slice %arg5[%add3A_50, %dma_start3A_53] : memref<1048576x64xf32, #tpu.memory_space<hbm>> -> memref<512x64xf32, #tpu.memory_space<hbm>>
        tpu.enqueue_dma source(%arg8 : memref<512x64xf32, #tpu.memory_space<vmem>>) target(%dma_start3A_54 : memref<512x64xf32, #tpu.memory_space<hbm>>) target_semaphore(%arg12 : memref<!tpu.dma_semaphore, #tpu.memory_space<semaphore_mem>>)
        %add3A_55 = arith.constant 1 : i32
        %add3A_56 = arith.addi %scan3A_30, %add3A_55 : i32
        %lt3A = arith.constant 64 : i32
        %lt3A_57 = arith.cmpi slt, %add3A_56, %lt3A : i32
        %convert_element_type3A_58 = arith.extui %lt3A_57 : i1 to i32
        %cond3A_59 = arith.constant 0 : i32
        %cond3A_60 = arith.cmpi ne, %convert_element_type3A_58, %cond3A_59 : i32
        scf.if %cond3A_60 {
          %add3A_68 = arith.constant 1 : i32
          %add3A_69 = arith.addi %scan3A_30, %add3A_68 : i32
          %mul3A_70 = arith.constant 512 : i32
          %mul3A_71 = arith.muli %add3A_69, %mul3A_70 : i32
          %add3A_72 = arith.addi %mul3A_2, %mul3A_71 : i32
          %dma_start3A_73 = arith.constant 0 : i32
          %dma_start3A_74 = tpu.memref_slice %arg4[%add3A_72, %dma_start3A_73] : memref<1048576x64xf32, #tpu.memory_space<hbm>> -> memref<512x64xf32, #tpu.memory_space<hbm>>
          %dma_start3A_75 = arith.constant 0 : i32
          %dma_start3A_76 = tpu.memref_slice %arg4[%add3A_72, %dma_start3A_75] : memref<1048576x64xf32, #tpu.memory_space<hbm>> -> memref<512x64xf32, #tpu.memory_space<hbm>>
          tpu.enqueue_dma source(%dma_start3A_76 : memref<512x64xf32, #tpu.memory_space<hbm>>) target(%arg9 : memref<512x64xf32, #tpu.memory_space<vmem>>) target_semaphore(%arg11 : memref<!tpu.dma_semaphore, #tpu.memory_space<semaphore_mem>>)
        } else {
        }
        %mul3A_61 = arith.constant 512 : i32
        %mul3A_62 = arith.muli %scan3A_30, %mul3A_61 : i32
        %add3A_63 = arith.addi %mul3A_2, %mul3A_62 : i32
        %dma_wait3A_64 = arith.constant 0 : i32
        %dma_wait3A_65 = tpu.memref_slice %arg5[%add3A_63, %dma_wait3A_64] : memref<1048576x64xf32, #tpu.memory_space<hbm>> -> memref<512x64xf32, #tpu.memory_space<hbm>>
        %dma_wait3A_66 = arith.constant 0 : i32
        %dma_wait3A_67 = tpu.memref_slice %arg5[%add3A_63, %dma_wait3A_66] : memref<1048576x64xf32, #tpu.memory_space<hbm>> -> memref<512x64xf32, #tpu.memory_space<hbm>>
        tpu.wait_dma2 semaphore(%arg12 : memref<!tpu.dma_semaphore, #tpu.memory_space<semaphore_mem>>) src(%arg8 : memref<512x64xf32, #tpu.memory_space<vmem>>) dst(%dma_wait3A_67 : memref<512x64xf32, #tpu.memory_space<hbm>>)
      } else {
      }
      %rem3A_34 = arith.constant 2 : i32
      %rem3A_35 = arith.remsi %scan3A_30, %rem3A_34 : i32
      %eq3A_36 = arith.constant 1 : i32
      %eq3A_37 = arith.cmpi eq, %rem3A_35, %eq3A_36 : i32
      %convert_element_type3A_38 = arith.extui %eq3A_37 : i1 to i32
      %cond3A_39 = arith.constant 0 : i32
      %cond3A_40 = arith.cmpi ne, %convert_element_type3A_38, %cond3A_39 : i32
      scf.if %cond3A_40 {
        %mul3A_41 = arith.constant 512 : i32
        %mul3A_42 = arith.muli %scan3A_30, %mul3A_41 : i32
        %add3A_43 = arith.addi %mul3A_2, %mul3A_42 : i32
        %dma_wait3A_44 = arith.constant 0 : i32
        %dma_wait3A_45 = tpu.memref_slice %arg4[%add3A_43, %dma_wait3A_44] : memref<1048576x64xf32, #tpu.memory_space<hbm>> -> memref<512x64xf32, #tpu.memory_space<hbm>>
        %dma_wait3A_46 = arith.constant 0 : i32
        %dma_wait3A_47 = tpu.memref_slice %arg4[%add3A_43, %dma_wait3A_46] : memref<1048576x64xf32, #tpu.memory_space<hbm>> -> memref<512x64xf32, #tpu.memory_space<hbm>>
        tpu.wait_dma2 semaphore(%arg11 : memref<!tpu.dma_semaphore, #tpu.memory_space<semaphore_mem>>) src(%dma_wait3A_47 : memref<512x64xf32, #tpu.memory_space<hbm>>) dst(%arg9 : memref<512x64xf32, #tpu.memory_space<vmem>>)
        %mul3A_48 = arith.constant 512 : i32
        %mul3A_49 = arith.muli %scan3A_30, %mul3A_48 : i32
        %add3A_50 = arith.addi %mul3A_2, %mul3A_49 : i32
        %dma_start3A_51 = arith.constant 0 : i32
        %dma_start3A_52 = tpu.memref_slice %arg5[%add3A_50, %dma_start3A_51] : memref<1048576x64xf32, #tpu.memory_space<hbm>> -> memref<512x64xf32, #tpu.memory_space<hbm>>
        %dma_start3A_53 = arith.constant 0 : i32
        %dma_start3A_54 = tpu.memref_slice %arg5[%add3A_50, %dma_start3A_53] : memref<1048576x64xf32, #tpu.memory_space<hbm>> -> memref<512x64xf32, #tpu.memory_space<hbm>>
        tpu.enqueue_dma source(%arg9 : memref<512x64xf32, #tpu.memory_space<vmem>>) target(%dma_start3A_54 : memref<512x64xf32, #tpu.memory_space<hbm>>) target_semaphore(%arg12 : memref<!tpu.dma_semaphore, #tpu.memory_space<semaphore_mem>>)
        %add3A_55 = arith.constant 1 : i32
        %add3A_56 = arith.addi %scan3A_30, %add3A_55 : i32
        %lt3A = arith.constant 64 : i32
        %lt3A_57 = arith.cmpi slt, %add3A_56, %lt3A : i32
        %convert_element_type3A_58 = arith.extui %lt3A_57 : i1 to i32
        %cond3A_59 = arith.constant 0 : i32
        %cond3A_60 = arith.cmpi ne, %convert_element_type3A_58, %cond3A_59 : i32
        scf.if %cond3A_60 {
          %add3A_68 = arith.constant 1 : i32
          %add3A_69 = arith.addi %scan3A_30, %add3A_68 : i32
          %mul3A_70 = arith.constant 512 : i32
          %mul3A_71 = arith.muli %add3A_69, %mul3A_70 : i32
          %add3A_72 = arith.addi %mul3A_2, %mul3A_71 : i32
          %dma_start3A_73 = arith.constant 0 : i32
          %dma_start3A_74 = tpu.memref_slice %arg4[%add3A_72, %dma_start3A_73] : memref<1048576x64xf32, #tpu.memory_space<hbm>> -> memref<512x64xf32, #tpu.memory_space<hbm>>
          %dma_start3A_75 = arith.constant 0 : i32
          %dma_start3A_76 = tpu.memref_slice %arg4[%add3A_72, %dma_start3A_75] : memref<1048576x64xf32, #tpu.memory_space<hbm>> -> memref<512x64xf32, #tpu.memory_space<hbm>>
          tpu.enqueue_dma source(%dma_start3A_76 : memref<512x64xf32, #tpu.memory_space<hbm>>) target(%arg8 : memref<512x64xf32, #tpu.memory_space<vmem>>) target_semaphore(%arg10 : memref<!tpu.dma_semaphore, #tpu.memory_space<semaphore_mem>>)
        } else {
        }
        %mul3A_61 = arith.constant 512 : i32
        %mul3A_62 = arith.muli %scan3A_30, %mul3A_61 : i32
        %add3A_63 = arith.addi %mul3A_2, %mul3A_62 : i32
        %dma_wait3A_64 = arith.constant 0 : i32
        %dma_wait3A_65 = tpu.memref_slice %arg5[%add3A_63, %dma_wait3A_64] : memref<1048576x64xf32, #tpu.memory_space<hbm>> -> memref<512x64xf32, #tpu.memory_space<hbm>>
        %dma_wait3A_66 = arith.constant 0 : i32
        %dma_wait3A_67 = tpu.memref_slice %arg5[%add3A_63, %dma_wait3A_66] : memref<1048576x64xf32, #tpu.memory_space<hbm>> -> memref<512x64xf32, #tpu.memory_space<hbm>>
        tpu.wait_dma2 semaphore(%arg12 : memref<!tpu.dma_semaphore, #tpu.memory_space<semaphore_mem>>) src(%arg9 : memref<512x64xf32, #tpu.memory_space<vmem>>) dst(%dma_wait3A_67 : memref<512x64xf32, #tpu.memory_space<hbm>>)
      } else {
      }
    }
    %scan3A_10 = arith.constant 64 : i32
    %mul3A_11 = arith.constant 2 : i32
    %mul3A_12 = arith.muli %add3A, %mul3A_11 : i32
    %add3A_13 = arith.constant 0 : i32
    %add3A_14 = arith.addi %mul3A_12, %add3A_13 : i32
    "tpu.region"() ({
      %run_scoped3A = tpu.sem_alloc : memref<!tpu.dma_semaphore, #tpu.memory_space<semaphore_mem>>
      %dma_start3A_30 = arith.constant 0 : i32
      %dma_start3A_31 = tpu.memref_slice %arg2[%add3A_14, %dma_start3A_30] : memref<64x72xi32, #tpu.memory_space<hbm>> -> memref<1x72xi32, #tpu.memory_space<hbm>>
      %dma_start3A_32 = tpu.memref_squeeze %dma_start3A_31 : memref<1x72xi32, #tpu.memory_space<hbm>> -> memref<72xi32, #tpu.memory_space<hbm>>
      %dma_start3A_33 = arith.constant 0 : i32
      %dma_start3A_34 = tpu.memref_slice %arg2[%add3A_14, %dma_start3A_33] : memref<64x72xi32, #tpu.memory_space<hbm>> -> memref<1x72xi32, #tpu.memory_space<hbm>>
      %dma_start3A_35 = tpu.memref_squeeze %dma_start3A_34 : memref<1x72xi32, #tpu.memory_space<hbm>> -> memref<72xi32, #tpu.memory_space<hbm>>
      tpu.enqueue_dma source(%dma_start3A_35 : memref<72xi32, #tpu.memory_space<hbm>>) target(%arg6 : memref<72xi32, #tpu.memory_space<vmem>>) target_semaphore(%run_scoped3A : memref<!tpu.dma_semaphore, #tpu.memory_space<semaphore_mem>>)
      %dma_wait3A_36 = arith.constant 0 : i32
      %dma_wait3A_37 = tpu.memref_slice %arg2[%add3A_14, %dma_wait3A_36] : memref<64x72xi32, #tpu.memory_space<hbm>> -> memref<1x72xi32, #tpu.memory_space<hbm>>
      %dma_wait3A_38 = tpu.memref_squeeze %dma_wait3A_37 : memref<1x72xi32, #tpu.memory_space<hbm>> -> memref<72xi32, #tpu.memory_space<hbm>>
      %dma_wait3A_39 = arith.constant 0 : i32
      %dma_wait3A_40 = tpu.memref_slice %arg2[%add3A_14, %dma_wait3A_39] : memref<64x72xi32, #tpu.memory_space<hbm>> -> memref<1x72xi32, #tpu.memory_space<hbm>>
      %dma_wait3A_41 = tpu.memref_squeeze %dma_wait3A_40 : memref<1x72xi32, #tpu.memory_space<hbm>> -> memref<72xi32, #tpu.memory_space<hbm>>
      tpu.wait_dma2 semaphore(%run_scoped3A : memref<!tpu.dma_semaphore, #tpu.memory_space<semaphore_mem>>) src(%dma_wait3A_41 : memref<72xi32, #tpu.memory_space<hbm>>) dst(%arg6 : memref<72xi32, #tpu.memory_space<vmem>>)
      tpu.yield
    }) : () -> ()
    "tpu.region"() ({
      %run_scoped3A = tpu.sem_alloc : memref<!tpu.dma_semaphore, #tpu.memory_space<semaphore_mem>>
      %dma_start3A_30 = arith.constant 0 : i32
      %dma_start3A_31 = arith.constant 0 : i32
      %dma_start3A_32 = tpu.memref_slice %arg3[%add3A_14, %dma_start3A_30, %dma_start3A_31] : memref<64x72x64xf32, #tpu.memory_space<hbm>> -> memref<1x72x64xf32, #tpu.memory_space<hbm>>
      %dma_start3A_33 = tpu.memref_squeeze %dma_start3A_32 : memref<1x72x64xf32, #tpu.memory_space<hbm>> -> memref<72x64xf32, #tpu.memory_space<hbm>>
      %dma_start3A_34 = arith.constant 0 : i32
      %dma_start3A_35 = arith.constant 0 : i32
      %dma_start3A_36 = tpu.memref_slice %arg3[%add3A_14, %dma_start3A_34, %dma_start3A_35] : memref<64x72x64xf32, #tpu.memory_space<hbm>> -> memref<1x72x64xf32, #tpu.memory_space<hbm>>
      %dma_start3A_37 = tpu.memref_squeeze %dma_start3A_36 : memref<1x72x64xf32, #tpu.memory_space<hbm>> -> memref<72x64xf32, #tpu.memory_space<hbm>>
      tpu.enqueue_dma source(%dma_start3A_37 : memref<72x64xf32, #tpu.memory_space<hbm>>) target(%arg7 : memref<72x64xf32, #tpu.memory_space<vmem>>) target_semaphore(%run_scoped3A : memref<!tpu.dma_semaphore, #tpu.memory_space<semaphore_mem>>)
      %dma_wait3A_38 = arith.constant 0 : i32
      %dma_wait3A_39 = arith.constant 0 : i32
      %dma_wait3A_40 = tpu.memref_slice %arg3[%add3A_14, %dma_wait3A_38, %dma_wait3A_39] : memref<64x72x64xf32, #tpu.memory_space<hbm>> -> memref<1x72x64xf32, #tpu.memory_space<hbm>>
      %dma_wait3A_41 = tpu.memref_squeeze %dma_wait3A_40 : memref<1x72x64xf32, #tpu.memory_space<hbm>> -> memref<72x64xf32, #tpu.memory_space<hbm>>
      %dma_wait3A_42 = arith.constant 0 : i32
      %dma_wait3A_43 = arith.constant 0 : i32
      %dma_wait3A_44 = tpu.memref_slice %arg3[%add3A_14, %dma_wait3A_42, %dma_wait3A_43] : memref<64x72x64xf32, #tpu.memory_space<hbm>> -> memref<1x72x64xf32, #tpu.memory_space<hbm>>
      %dma_wait3A_45 = tpu.memref_squeeze %dma_wait3A_44 : memref<1x72x64xf32, #tpu.memory_space<hbm>> -> memref<72x64xf32, #tpu.memory_space<hbm>>
      tpu.wait_dma2 semaphore(%run_scoped3A : memref<!tpu.dma_semaphore, #tpu.memory_space<semaphore_mem>>) src(%dma_wait3A_45 : memref<72x64xf32, #tpu.memory_space<hbm>>) dst(%arg7 : memref<72x64xf32, #tpu.memory_space<vmem>>)
      tpu.yield
    }) : () -> ()
    %dma_start3A_15 = arith.constant 0 : i32
    %dma_start3A_16 = arith.constant 0 : i32
    %dma_start3A_17 = tpu.memref_slice %arg5[%dma_start3A_15, %dma_start3A_16] : memref<1048576x64xf32, #tpu.memory_space<hbm>> -> memref<1048576x64xf32, #tpu.memory_space<hbm>>
    tpu.enqueue_indirect_dma source(%arg7 : memref<72x64xf32, #tpu.memory_space<vmem>>) target(%dma_start3A_17 : memref<1048576x64xf32, #tpu.memory_space<hbm>>) offsets(%arg6 : memref<72xi32, #tpu.memory_space<vmem>>) semaphore(%arg13 : memref<!tpu.dma_semaphore, #tpu.memory_space<semaphore_mem>>)
    %dma_wait3A = arith.constant 0 : i32
    %dma_wait3A_18 = arith.constant 0 : i32
    %dma_wait3A_19 = tpu.memref_slice %arg5[%dma_wait3A, %dma_wait3A_18] : memref<1048576x64xf32, #tpu.memory_space<hbm>> -> memref<1048576x64xf32, #tpu.memory_space<hbm>>
    tpu.wait_indirect_dma semaphore(%arg13 : memref<!tpu.dma_semaphore, #tpu.memory_space<semaphore_mem>>) src(%arg7 : memref<72x64xf32, #tpu.memory_space<vmem>>) dst(%dma_wait3A_19 : memref<1048576x64xf32, #tpu.memory_space<hbm>>)
    %mul3A_20 = arith.constant 2 : i32
    %mul3A_21 = arith.muli %add3A, %mul3A_20 : i32
    %add3A_22 = arith.constant 1 : i32
    %add3A_23 = arith.addi %mul3A_21, %add3A_22 : i32
    "tpu.region"() ({
      %run_scoped3A = tpu.sem_alloc : memref<!tpu.dma_semaphore, #tpu.memory_space<semaphore_mem>>
      %dma_start3A_30 = arith.constant 0 : i32
      %dma_start3A_31 = tpu.memref_slice %arg2[%add3A_23, %dma_start3A_30] : memref<64x72xi32, #tpu.memory_space<hbm>> -> memref<1x72xi32, #tpu.memory_space<hbm>>
      %dma_start3A_32 = tpu.memref_squeeze %dma_start3A_31 : memref<1x72xi32, #tpu.memory_space<hbm>> -> memref<72xi32, #tpu.memory_space<hbm>>
      %dma_start3A_33 = arith.constant 0 : i32
      %dma_start3A_34 = tpu.memref_slice %arg2[%add3A_23, %dma_start3A_33] : memref<64x72xi32, #tpu.memory_space<hbm>> -> memref<1x72xi32, #tpu.memory_space<hbm>>
      %dma_start3A_35 = tpu.memref_squeeze %dma_start3A_34 : memref<1x72xi32, #tpu.memory_space<hbm>> -> memref<72xi32, #tpu.memory_space<hbm>>
      tpu.enqueue_dma source(%dma_start3A_35 : memref<72xi32, #tpu.memory_space<hbm>>) target(%arg6 : memref<72xi32, #tpu.memory_space<vmem>>) target_semaphore(%run_scoped3A : memref<!tpu.dma_semaphore, #tpu.memory_space<semaphore_mem>>)
      %dma_wait3A_36 = arith.constant 0 : i32
      %dma_wait3A_37 = tpu.memref_slice %arg2[%add3A_23, %dma_wait3A_36] : memref<64x72xi32, #tpu.memory_space<hbm>> -> memref<1x72xi32, #tpu.memory_space<hbm>>
      %dma_wait3A_38 = tpu.memref_squeeze %dma_wait3A_37 : memref<1x72xi32, #tpu.memory_space<hbm>> -> memref<72xi32, #tpu.memory_space<hbm>>
      %dma_wait3A_39 = arith.constant 0 : i32
      %dma_wait3A_40 = tpu.memref_slice %arg2[%add3A_23, %dma_wait3A_39] : memref<64x72xi32, #tpu.memory_space<hbm>> -> memref<1x72xi32, #tpu.memory_space<hbm>>
      %dma_wait3A_41 = tpu.memref_squeeze %dma_wait3A_40 : memref<1x72xi32, #tpu.memory_space<hbm>> -> memref<72xi32, #tpu.memory_space<hbm>>
      tpu.wait_dma2 semaphore(%run_scoped3A : memref<!tpu.dma_semaphore, #tpu.memory_space<semaphore_mem>>) src(%dma_wait3A_41 : memref<72xi32, #tpu.memory_space<hbm>>) dst(%arg6 : memref<72xi32, #tpu.memory_space<vmem>>)
      tpu.yield
    }) : () -> ()
    "tpu.region"() ({
      %run_scoped3A = tpu.sem_alloc : memref<!tpu.dma_semaphore, #tpu.memory_space<semaphore_mem>>
      %dma_start3A_30 = arith.constant 0 : i32
      %dma_start3A_31 = arith.constant 0 : i32
      %dma_start3A_32 = tpu.memref_slice %arg3[%add3A_23, %dma_start3A_30, %dma_start3A_31] : memref<64x72x64xf32, #tpu.memory_space<hbm>> -> memref<1x72x64xf32, #tpu.memory_space<hbm>>
      %dma_start3A_33 = tpu.memref_squeeze %dma_start3A_32 : memref<1x72x64xf32, #tpu.memory_space<hbm>> -> memref<72x64xf32, #tpu.memory_space<hbm>>
      %dma_start3A_34 = arith.constant 0 : i32
      %dma_start3A_35 = arith.constant 0 : i32
      %dma_start3A_36 = tpu.memref_slice %arg3[%add3A_23, %dma_start3A_34, %dma_start3A_35] : memref<64x72x64xf32, #tpu.memory_space<hbm>> -> memref<1x72x64xf32, #tpu.memory_space<hbm>>
      %dma_start3A_37 = tpu.memref_squeeze %dma_start3A_36 : memref<1x72x64xf32, #tpu.memory_space<hbm>> -> memref<72x64xf32, #tpu.memory_space<hbm>>
      tpu.enqueue_dma source(%dma_start3A_37 : memref<72x64xf32, #tpu.memory_space<hbm>>) target(%arg7 : memref<72x64xf32, #tpu.memory_space<vmem>>) target_semaphore(%run_scoped3A : memref<!tpu.dma_semaphore, #tpu.memory_space<semaphore_mem>>)
      %dma_wait3A_38 = arith.constant 0 : i32
      %dma_wait3A_39 = arith.constant 0 : i32
      %dma_wait3A_40 = tpu.memref_slice %arg3[%add3A_23, %dma_wait3A_38, %dma_wait3A_39] : memref<64x72x64xf32, #tpu.memory_space<hbm>> -> memref<1x72x64xf32, #tpu.memory_space<hbm>>
      %dma_wait3A_41 = tpu.memref_squeeze %dma_wait3A_40 : memref<1x72x64xf32, #tpu.memory_space<hbm>> -> memref<72x64xf32, #tpu.memory_space<hbm>>
      %dma_wait3A_42 = arith.constant 0 : i32
      %dma_wait3A_43 = arith.constant 0 : i32
      %dma_wait3A_44 = tpu.memref_slice %arg3[%add3A_23, %dma_wait3A_42, %dma_wait3A_43] : memref<64x72x64xf32, #tpu.memory_space<hbm>> -> memref<1x72x64xf32, #tpu.memory_space<hbm>>
      %dma_wait3A_45 = tpu.memref_squeeze %dma_wait3A_44 : memref<1x72x64xf32, #tpu.memory_space<hbm>> -> memref<72x64xf32, #tpu.memory_space<hbm>>
      tpu.wait_dma2 semaphore(%run_scoped3A : memref<!tpu.dma_semaphore, #tpu.memory_space<semaphore_mem>>) src(%dma_wait3A_45 : memref<72x64xf32, #tpu.memory_space<hbm>>) dst(%arg7 : memref<72x64xf32, #tpu.memory_space<vmem>>)
      tpu.yield
    }) : () -> ()
    %dma_start3A_24 = arith.constant 0 : i32
    %dma_start3A_25 = arith.constant 0 : i32
    %dma_start3A_26 = tpu.memref_slice %arg5[%dma_start3A_24, %dma_start3A_25] : memref<1048576x64xf32, #tpu.memory_space<hbm>> -> memref<1048576x64xf32, #tpu.memory_space<hbm>>
    tpu.enqueue_indirect_dma source(%arg7 : memref<72x64xf32, #tpu.memory_space<vmem>>) target(%dma_start3A_26 : memref<1048576x64xf32, #tpu.memory_space<hbm>>) offsets(%arg6 : memref<72xi32, #tpu.memory_space<vmem>>) semaphore(%arg13 : memref<!tpu.dma_semaphore, #tpu.memory_space<semaphore_mem>>)
    %dma_wait3A_27 = arith.constant 0 : i32
    %dma_wait3A_28 = arith.constant 0 : i32
    %dma_wait3A_29 = tpu.memref_slice %arg5[%dma_wait3A_27, %dma_wait3A_28] : memref<1048576x64xf32, #tpu.memory_space<hbm>> -> memref<1048576x64xf32, #tpu.memory_space<hbm>>
    tpu.wait_indirect_dma semaphore(%arg13 : memref<!tpu.dma_semaphore, #tpu.memory_space<semaphore_mem>>) src(%arg7 : memref<72x64xf32, #tpu.memory_space<vmem>>) dst(%dma_wait3A_29 : memref<1048576x64xf32, #tpu.memory_space<hbm>>)
    return
  }
}

module attributes {stable_mosaic.version = 14 : i64} {
  func.func @_scan_body(%arg0: i32, %arg1: i32, %arg2: memref<1x8x64xf32, #tpu.memory_space<vmem>>, %arg3: memref<1x2048x64xf32, #tpu.memory_space<vmem>>, %arg4: memref<1x8x8xi32, #tpu.memory_space<vmem>>, %arg5: memref<8x8x2048xf32, #tpu.memory_space<vmem>>) attributes {dimension_semantics = [#tpu.dimension_semantics<arbitrary>, #tpu.dimension_semantics<arbitrary>], iteration_bounds = array<i64: 64, 8>, scalar_prefetch = 0 : i64, scratch_operands = 1 : i64, tpu.core_type = #tpu.core_type<tc>, window_params = [{transform_indices = @transform_0, window_bounds = array<i64: 1, 8, 64>}, {transform_indices = @transform_1, window_bounds = array<i64: 1, 2048, 64>}, {transform_indices = @transform_2, window_bounds = array<i64: 1, 8, 8>}]} {
    %get3A = arith.constant 0 : index
    %get3A_0 = arith.constant 0 : index
    %get3A_1 = arith.constant 0 : index
    %get3A_2 = vector.load %arg3[%get3A, %get3A_0, %get3A_1] : memref<1x2048x64xf32, #tpu.memory_space<vmem>>, vector<1x2048x64xf32>
    %get3A_3 = vector.shape_cast %get3A_2 : vector<1x2048x64xf32> to vector<2048x64xf32>
    %get3A_4 = arith.constant 0 : index
    %get3A_5 = arith.constant 0 : index
    %get3A_6 = arith.constant 0 : index
    %get3A_7 = vector.load %arg2[%get3A_4, %get3A_5, %get3A_6] : memref<1x8x64xf32, #tpu.memory_space<vmem>>, vector<1x8x64xf32>
    %get3A_8 = vector.shape_cast %get3A_7 : vector<1x8x64xf32> to vector<8x64xf32>
    %dot_general3A = arith.constant dense<0.000000e+00> : vector<8x2048xf32>
    %dot_general3A_9 = tpu.matmul %get3A_8, %get3A_3, %dot_general3A {dimension_numbers = #tpu.dot_dimension_numbers<[1], [1], [0], [0], [0, 0, 1, 0], [], []>, transpose_lhs_hint = false} : vector<8x64xf32>, vector<2048x64xf32>, vector<8x2048xf32> -> vector<8x2048xf32>
    %swap3A = arith.index_cast %arg1 : i32 to index
    %swap3A_10 = arith.constant 0 : index
    %swap3A_11 = arith.constant 0 : index
    %swap3A_12 = vector.load %arg5[%swap3A, %swap3A_10, %swap3A_11] : memref<8x8x2048xf32, #tpu.memory_space<vmem>>, vector<1x8x2048xf32>
    %swap3A_13 = vector.shape_cast %swap3A_12 : vector<1x8x2048xf32> to vector<8x2048xf32>
    %swap3A_14 = vector.shape_cast %dot_general3A_9 : vector<8x2048xf32> to vector<1x8x2048xf32>
    tpu.vector_store %arg5[%swap3A, %swap3A_10, %swap3A_11], %swap3A_14 {strides = array<i32>} : memref<8x8x2048xf32, #tpu.memory_space<vmem>>, vector<1x8x2048xf32>,
    %eq3A = arith.constant 7 : i32
    %eq3A_15 = arith.cmpi eq, %arg1, %eq3A : i32
    %convert_element_type3A = arith.extui %eq3A_15 : i1 to i32
    %cond3A = arith.constant 0 : i32
    %cond3A_16 = arith.cmpi ne, %convert_element_type3A, %cond3A : i32
    scf.if %cond3A_16 {
      %get3A_17 = arith.constant 0 : index
      %get3A_18 = arith.constant 0 : index
      %get3A_19 = arith.constant 0 : index
      %get3A_20 = vector.load %arg5[%get3A_17, %get3A_18, %get3A_19] : memref<8x8x2048xf32, #tpu.memory_space<vmem>>, vector<1x8x2048xf32>
      %get3A_21 = vector.shape_cast %get3A_20 : vector<1x8x2048xf32> to vector<8x2048xf32>
      %get3A_22 = arith.constant 1 : index
      %get3A_23 = arith.constant 0 : index
      %get3A_24 = arith.constant 0 : index
      %get3A_25 = vector.load %arg5[%get3A_22, %get3A_23, %get3A_24] : memref<8x8x2048xf32, #tpu.memory_space<vmem>>, vector<1x8x2048xf32>
      %get3A_26 = vector.shape_cast %get3A_25 : vector<1x8x2048xf32> to vector<8x2048xf32>
      %get3A_27 = arith.constant 2 : index
      %get3A_28 = arith.constant 0 : index
      %get3A_29 = arith.constant 0 : index
      %get3A_30 = vector.load %arg5[%get3A_27, %get3A_28, %get3A_29] : memref<8x8x2048xf32, #tpu.memory_space<vmem>>, vector<1x8x2048xf32>
      %get3A_31 = vector.shape_cast %get3A_30 : vector<1x8x2048xf32> to vector<8x2048xf32>
      %get3A_32 = arith.constant 3 : index
      %get3A_33 = arith.constant 0 : index
      %get3A_34 = arith.constant 0 : index
      %get3A_35 = vector.load %arg5[%get3A_32, %get3A_33, %get3A_34] : memref<8x8x2048xf32, #tpu.memory_space<vmem>>, vector<1x8x2048xf32>
      %get3A_36 = vector.shape_cast %get3A_35 : vector<1x8x2048xf32> to vector<8x2048xf32>
      %get3A_37 = arith.constant 4 : index
      %get3A_38 = arith.constant 0 : index
      %get3A_39 = arith.constant 0 : index
      %get3A_40 = vector.load %arg5[%get3A_37, %get3A_38, %get3A_39] : memref<8x8x2048xf32, #tpu.memory_space<vmem>>, vector<1x8x2048xf32>
      %get3A_41 = vector.shape_cast %get3A_40 : vector<1x8x2048xf32> to vector<8x2048xf32>
      %get3A_42 = arith.constant 5 : index
      %get3A_43 = arith.constant 0 : index
      %get3A_44 = arith.constant 0 : index
      %get3A_45 = vector.load %arg5[%get3A_42, %get3A_43, %get3A_44] : memref<8x8x2048xf32, #tpu.memory_space<vmem>>, vector<1x8x2048xf32>
      %get3A_46 = vector.shape_cast %get3A_45 : vector<1x8x2048xf32> to vector<8x2048xf32>
      %get3A_47 = arith.constant 6 : index
      %get3A_48 = arith.constant 0 : index
      %get3A_49 = arith.constant 0 : index
      %get3A_50 = vector.load %arg5[%get3A_47, %get3A_48, %get3A_49] : memref<8x8x2048xf32, #tpu.memory_space<vmem>>, vector<1x8x2048xf32>
      %get3A_51 = vector.shape_cast %get3A_50 : vector<1x8x2048xf32> to vector<8x2048xf32>
      %get3A_52 = arith.constant 7 : index
      %get3A_53 = arith.constant 0 : index
      %get3A_54 = arith.constant 0 : index
      %get3A_55 = vector.load %arg5[%get3A_52, %get3A_53, %get3A_54] : memref<8x8x2048xf32, #tpu.memory_space<vmem>>, vector<1x8x2048xf32>
      %get3A_56 = vector.shape_cast %get3A_55 : vector<1x8x2048xf32> to vector<8x2048xf32>
      %concatenate3A = tpu.concatenate %get3A_21, %get3A_26, %get3A_31, %get3A_36, %get3A_41, %get3A_46, %get3A_51, %get3A_56 in 1 : vector<8x2048xf32>, vector<8x2048xf32>, vector<8x2048xf32>, vector<8x2048xf32>, vector<8x2048xf32>, vector<8x2048xf32>, vector<8x2048xf32>, vector<8x2048xf32> -> vector<8x16384xf32>
      %iota3A = tpu.iota {dimensions = array<i32: 1>} : vector<8x16384xi32>
      %reduce_max3A = arith.constant dense<0xFF800000> : vector<8xf32>
      %reduce_max3A_57 = vector.multi_reduction <maximumf>, %concatenate3A, %reduce_max3A [1] : vector<8x16384xf32> to vector<8xf32>
      %broadcast_in_dim3A = vector.shape_cast %reduce_max3A_57 : vector<8xf32> to vector<8x1xf32>
      %ge3A = vector.broadcast %broadcast_in_dim3A : vector<8x1xf32> to vector<8x16384xf32>
      %ge3A_58 = arith.cmpf oge, %concatenate3A, %ge3A : vector<8x16384xf32>
      %jit3A = arith.constant 1073741824 : i32
      %broadcast_in_dim3A_59 = vector.broadcast %jit3A : i32 to vector<8x16384xi32>
      %select_n3A = arith.select %ge3A_58, %iota3A, %broadcast_in_dim3A_59 : vector<8x16384xi1>, vector<8x16384xi32>
      %reduce_min3A = arith.constant dense<2147483647> : vector<8xi32>
      %reduce_min3A_60 = vector.multi_reduction <minsi>, %select_n3A, %reduce_min3A [1] : vector<8x16384xi32> to vector<8xi32>
      %broadcast_in_dim3A_61 = vector.shape_cast %reduce_min3A_60 : vector<8xi32> to vector<8x1xi32>
      %eq3A_62 = vector.broadcast %broadcast_in_dim3A_61 : vector<8x1xi32> to vector<8x16384xi32>
      %eq3A_63 = arith.cmpi eq, %iota3A, %eq3A_62 : vector<8x16384xi32>
      %jit3A_64 = arith.constant -3.000000e+38 : f32
      %broadcast_in_dim3A_65 = vector.broadcast %jit3A_64 : f32 to vector<8x16384xf32>
      %select_n3A_66 = arith.select %eq3A_63, %broadcast_in_dim3A_65, %concatenate3A : vector<8x16384xi1>, vector<8x16384xf32>
      %reduce_max3A_67 = arith.constant dense<0xFF800000> : vector<8xf32>
      %reduce_max3A_68 = vector.multi_reduction <maximumf>, %select_n3A_66, %reduce_max3A_67 [1] : vector<8x16384xf32> to vector<8xf32>
      %broadcast_in_dim3A_69 = vector.shape_cast %reduce_max3A_68 : vector<8xf32> to vector<8x1xf32>
      %ge3A_70 = vector.broadcast %broadcast_in_dim3A_69 : vector<8x1xf32> to vector<8x16384xf32>
      %ge3A_71 = arith.cmpf oge, %select_n3A_66, %ge3A_70 : vector<8x16384xf32>
      %jit3A_72 = arith.constant 1073741824 : i32
      %broadcast_in_dim3A_73 = vector.broadcast %jit3A_72 : i32 to vector<8x16384xi32>
      %select_n3A_74 = arith.select %ge3A_71, %iota3A, %broadcast_in_dim3A_73 : vector<8x16384xi1>, vector<8x16384xi32>
      %reduce_min3A_75 = arith.constant dense<2147483647> : vector<8xi32>
      %reduce_min3A_76 = vector.multi_reduction <minsi>, %select_n3A_74, %reduce_min3A_75 [1] : vector<8x16384xi32> to vector<8xi32>
      %broadcast_in_dim3A_77 = vector.shape_cast %reduce_min3A_76 : vector<8xi32> to vector<8x1xi32>
      %eq3A_78 = vector.broadcast %broadcast_in_dim3A_77 : vector<8x1xi32> to vector<8x16384xi32>
      %eq3A_79 = arith.cmpi eq, %iota3A, %eq3A_78 : vector<8x16384xi32>
      %jit3A_80 = arith.constant -3.000000e+38 : f32
      %broadcast_in_dim3A_81 = vector.broadcast %jit3A_80 : f32 to vector<8x16384xf32>
      %select_n3A_82 = arith.select %eq3A_79, %broadcast_in_dim3A_81, %select_n3A_66 : vector<8x16384xi1>, vector<8x16384xf32>
      %reduce_max3A_83 = arith.constant dense<0xFF800000> : vector<8xf32>
      %reduce_max3A_84 = vector.multi_reduction <maximumf>, %select_n3A_82, %reduce_max3A_83 [1] : vector<8x16384xf32> to vector<8xf32>
      %broadcast_in_dim3A_85 = vector.shape_cast %reduce_max3A_84 : vector<8xf32> to vector<8x1xf32>
      %ge3A_86 = vector.broadcast %broadcast_in_dim3A_85 : vector<8x1xf32> to vector<8x16384xf32>
      %ge3A_87 = arith.cmpf oge, %select_n3A_82, %ge3A_86 : vector<8x16384xf32>
      %jit3A_88 = arith.constant 1073741824 : i32
      %broadcast_in_dim3A_89 = vector.broadcast %jit3A_88 : i32 to vector<8x16384xi32>
      %select_n3A_90 = arith.select %ge3A_87, %iota3A, %broadcast_in_dim3A_89 : vector<8x16384xi1>, vector<8x16384xi32>
      %reduce_min3A_91 = arith.constant dense<2147483647> : vector<8xi32>
      %reduce_min3A_92 = vector.multi_reduction <minsi>, %select_n3A_90, %reduce_min3A_91 [1] : vector<8x16384xi32> to vector<8xi32>
      %broadcast_in_dim3A_93 = vector.shape_cast %reduce_min3A_92 : vector<8xi32> to vector<8x1xi32>
      %eq3A_94 = vector.broadcast %broadcast_in_dim3A_93 : vector<8x1xi32> to vector<8x16384xi32>
      %eq3A_95 = arith.cmpi eq, %iota3A, %eq3A_94 : vector<8x16384xi32>
      %jit3A_96 = arith.constant -3.000000e+38 : f32
      %broadcast_in_dim3A_97 = vector.broadcast %jit3A_96 : f32 to vector<8x16384xf32>
      %select_n3A_98 = arith.select %eq3A_95, %broadcast_in_dim3A_97, %select_n3A_82 : vector<8x16384xi1>, vector<8x16384xf32>
      %reduce_max3A_99 = arith.constant dense<0xFF800000> : vector<8xf32>
      %reduce_max3A_100 = vector.multi_reduction <maximumf>, %select_n3A_98, %reduce_max3A_99 [1] : vector<8x16384xf32> to vector<8xf32>
      %broadcast_in_dim3A_101 = vector.shape_cast %reduce_max3A_100 : vector<8xf32> to vector<8x1xf32>
      %ge3A_102 = vector.broadcast %broadcast_in_dim3A_101 : vector<8x1xf32> to vector<8x16384xf32>
      %ge3A_103 = arith.cmpf oge, %select_n3A_98, %ge3A_102 : vector<8x16384xf32>
      %jit3A_104 = arith.constant 1073741824 : i32
      %broadcast_in_dim3A_105 = vector.broadcast %jit3A_104 : i32 to vector<8x16384xi32>
      %select_n3A_106 = arith.select %ge3A_103, %iota3A, %broadcast_in_dim3A_105 : vector<8x16384xi1>, vector<8x16384xi32>
      %reduce_min3A_107 = arith.constant dense<2147483647> : vector<8xi32>
      %reduce_min3A_108 = vector.multi_reduction <minsi>, %select_n3A_106, %reduce_min3A_107 [1] : vector<8x16384xi32> to vector<8xi32>
      %broadcast_in_dim3A_109 = vector.shape_cast %reduce_min3A_108 : vector<8xi32> to vector<8x1xi32>
      %eq3A_110 = vector.broadcast %broadcast_in_dim3A_109 : vector<8x1xi32> to vector<8x16384xi32>
      %eq3A_111 = arith.cmpi eq, %iota3A, %eq3A_110 : vector<8x16384xi32>
      %jit3A_112 = arith.constant -3.000000e+38 : f32
      %broadcast_in_dim3A_113 = vector.broadcast %jit3A_112 : f32 to vector<8x16384xf32>
      %select_n3A_114 = arith.select %eq3A_111, %broadcast_in_dim3A_113, %select_n3A_98 : vector<8x16384xi1>, vector<8x16384xf32>
      %reduce_max3A_115 = arith.constant dense<0xFF800000> : vector<8xf32>
      %reduce_max3A_116 = vector.multi_reduction <maximumf>, %select_n3A_114, %reduce_max3A_115 [1] : vector<8x16384xf32> to vector<8xf32>
      %broadcast_in_dim3A_117 = vector.shape_cast %reduce_max3A_116 : vector<8xf32> to vector<8x1xf32>
      %ge3A_118 = vector.broadcast %broadcast_in_dim3A_117 : vector<8x1xf32> to vector<8x16384xf32>
      %ge3A_119 = arith.cmpf oge, %select_n3A_114, %ge3A_118 : vector<8x16384xf32>
      %jit3A_120 = arith.constant 1073741824 : i32
      %broadcast_in_dim3A_121 = vector.broadcast %jit3A_120 : i32 to vector<8x16384xi32>
      %select_n3A_122 = arith.select %ge3A_119, %iota3A, %broadcast_in_dim3A_121 : vector<8x16384xi1>, vector<8x16384xi32>
      %reduce_min3A_123 = arith.constant dense<2147483647> : vector<8xi32>
      %reduce_min3A_124 = vector.multi_reduction <minsi>, %select_n3A_122, %reduce_min3A_123 [1] : vector<8x16384xi32> to vector<8xi32>
      %broadcast_in_dim3A_125 = vector.shape_cast %reduce_min3A_124 : vector<8xi32> to vector<8x1xi32>
      %eq3A_126 = vector.broadcast %broadcast_in_dim3A_125 : vector<8x1xi32> to vector<8x16384xi32>
      %eq3A_127 = arith.cmpi eq, %iota3A, %eq3A_126 : vector<8x16384xi32>
      %jit3A_128 = arith.constant -3.000000e+38 : f32
      %broadcast_in_dim3A_129 = vector.broadcast %jit3A_128 : f32 to vector<8x16384xf32>
      %select_n3A_130 = arith.select %eq3A_127, %broadcast_in_dim3A_129, %select_n3A_114 : vector<8x16384xi1>, vector<8x16384xf32>
      %reduce_max3A_131 = arith.constant dense<0xFF800000> : vector<8xf32>
      %reduce_max3A_132 = vector.multi_reduction <maximumf>, %select_n3A_130, %reduce_max3A_131 [1] : vector<8x16384xf32> to vector<8xf32>
      %broadcast_in_dim3A_133 = vector.shape_cast %reduce_max3A_132 : vector<8xf32> to vector<8x1xf32>
      %ge3A_134 = vector.broadcast %broadcast_in_dim3A_133 : vector<8x1xf32> to vector<8x16384xf32>
      %ge3A_135 = arith.cmpf oge, %select_n3A_130, %ge3A_134 : vector<8x16384xf32>
      %jit3A_136 = arith.constant 1073741824 : i32
      %broadcast_in_dim3A_137 = vector.broadcast %jit3A_136 : i32 to vector<8x16384xi32>
      %select_n3A_138 = arith.select %ge3A_135, %iota3A, %broadcast_in_dim3A_137 : vector<8x16384xi1>, vector<8x16384xi32>
      %reduce_min3A_139 = arith.constant dense<2147483647> : vector<8xi32>
      %reduce_min3A_140 = vector.multi_reduction <minsi>, %select_n3A_138, %reduce_min3A_139 [1] : vector<8x16384xi32> to vector<8xi32>
      %broadcast_in_dim3A_141 = vector.shape_cast %reduce_min3A_140 : vector<8xi32> to vector<8x1xi32>
      %eq3A_142 = vector.broadcast %broadcast_in_dim3A_141 : vector<8x1xi32> to vector<8x16384xi32>
      %eq3A_143 = arith.cmpi eq, %iota3A, %eq3A_142 : vector<8x16384xi32>
      %jit3A_144 = arith.constant -3.000000e+38 : f32
      %broadcast_in_dim3A_145 = vector.broadcast %jit3A_144 : f32 to vector<8x16384xf32>
      %select_n3A_146 = arith.select %eq3A_143, %broadcast_in_dim3A_145, %select_n3A_130 : vector<8x16384xi1>, vector<8x16384xf32>
      %reduce_max3A_147 = arith.constant dense<0xFF800000> : vector<8xf32>
      %reduce_max3A_148 = vector.multi_reduction <maximumf>, %select_n3A_146, %reduce_max3A_147 [1] : vector<8x16384xf32> to vector<8xf32>
      %broadcast_in_dim3A_149 = vector.shape_cast %reduce_max3A_148 : vector<8xf32> to vector<8x1xf32>
      %ge3A_150 = vector.broadcast %broadcast_in_dim3A_149 : vector<8x1xf32> to vector<8x16384xf32>
      %ge3A_151 = arith.cmpf oge, %select_n3A_146, %ge3A_150 : vector<8x16384xf32>
      %jit3A_152 = arith.constant 1073741824 : i32
      %broadcast_in_dim3A_153 = vector.broadcast %jit3A_152 : i32 to vector<8x16384xi32>
      %select_n3A_154 = arith.select %ge3A_151, %iota3A, %broadcast_in_dim3A_153 : vector<8x16384xi1>, vector<8x16384xi32>
      %reduce_min3A_155 = arith.constant dense<2147483647> : vector<8xi32>
      %reduce_min3A_156 = vector.multi_reduction <minsi>, %select_n3A_154, %reduce_min3A_155 [1] : vector<8x16384xi32> to vector<8xi32>
      %broadcast_in_dim3A_157 = vector.shape_cast %reduce_min3A_156 : vector<8xi32> to vector<8x1xi32>
      %eq3A_158 = vector.broadcast %broadcast_in_dim3A_157 : vector<8x1xi32> to vector<8x16384xi32>
      %eq3A_159 = arith.cmpi eq, %iota3A, %eq3A_158 : vector<8x16384xi32>
      %jit3A_160 = arith.constant -3.000000e+38 : f32
      %broadcast_in_dim3A_161 = vector.broadcast %jit3A_160 : f32 to vector<8x16384xf32>
      %select_n3A_162 = arith.select %eq3A_159, %broadcast_in_dim3A_161, %select_n3A_146 : vector<8x16384xi1>, vector<8x16384xf32>
      %reduce_max3A_163 = arith.constant dense<0xFF800000> : vector<8xf32>
      %reduce_max3A_164 = vector.multi_reduction <maximumf>, %select_n3A_162, %reduce_max3A_163 [1] : vector<8x16384xf32> to vector<8xf32>
      %broadcast_in_dim3A_165 = vector.shape_cast %reduce_max3A_164 : vector<8xf32> to vector<8x1xf32>
      %ge3A_166 = vector.broadcast %broadcast_in_dim3A_165 : vector<8x1xf32> to vector<8x16384xf32>
      %ge3A_167 = arith.cmpf oge, %select_n3A_162, %ge3A_166 : vector<8x16384xf32>
      %jit3A_168 = arith.constant 1073741824 : i32
      %broadcast_in_dim3A_169 = vector.broadcast %jit3A_168 : i32 to vector<8x16384xi32>
      %select_n3A_170 = arith.select %ge3A_167, %iota3A, %broadcast_in_dim3A_169 : vector<8x16384xi1>, vector<8x16384xi32>
      %reduce_min3A_171 = arith.constant dense<2147483647> : vector<8xi32>
      %reduce_min3A_172 = vector.multi_reduction <minsi>, %select_n3A_170, %reduce_min3A_171 [1] : vector<8x16384xi32> to vector<8xi32>
      %broadcast_in_dim3A_173 = vector.shape_cast %reduce_min3A_172 : vector<8xi32> to vector<8x1xi32>
      %concatenate3A_174 = tpu.concatenate %broadcast_in_dim3A_61, %broadcast_in_dim3A_77, %broadcast_in_dim3A_93, %broadcast_in_dim3A_109, %broadcast_in_dim3A_125, %broadcast_in_dim3A_141, %broadcast_in_dim3A_157, %broadcast_in_dim3A_173 in 1 : vector<8x1xi32>, vector<8x1xi32>, vector<8x1xi32>, vector<8x1xi32>, vector<8x1xi32>, vector<8x1xi32>, vector<8x1xi32>, vector<8x1xi32> -> vector<8x8xi32>
      %swap3A_175 = arith.constant 0 : index
      %swap3A_176 = arith.constant 0 : index
      %swap3A_177 = arith.constant 0 : index
      %swap3A_178 = vector.load %arg4[%swap3A_175, %swap3A_176, %swap3A_177] : memref<1x8x8xi32, #tpu.memory_space<vmem>>, vector<1x8x8xi32>
      %swap3A_179 = vector.shape_cast %swap3A_178 : vector<1x8x8xi32> to vector<8x8xi32>
      %swap3A_180 = vector.shape_cast %concatenate3A_174 : vector<8x8xi32> to vector<1x8x8xi32>
      tpu.vector_store %arg4[%swap3A_175, %swap3A_176, %swap3A_177], %swap3A_180 {strides = array<i32>} : memref<1x8x8xi32, #tpu.memory_space<vmem>>, vector<1x8x8xi32>,
    } else {
    }
    return
  }
  func.func @transform_0(%arg0: i32, %arg1: i32) -> (i32, i32, i32) {
    %c0_i32 = arith.constant 0 : i32
    %c0_i32_0 = arith.constant 0 : i32
    %c0_i32_1 = arith.constant 0 : i32
    return %arg0, %c0_i32, %c0_i32_0 : i32, i32, i32
  }
  func.func @transform_1(%arg0: i32, %arg1: i32) -> (i32, i32, i32) {
    %c0_i32 = arith.constant 0 : i32
    %c0_i32_0 = arith.constant 0 : i32
    return %arg0, %arg1, %c0_i32 : i32, i32, i32
  }
  func.func @transform_2(%arg0: i32, %arg1: i32) -> (i32, i32, i32) {
    %c0_i32 = arith.constant 0 : i32
    %c0_i32_0 = arith.constant 0 : i32
    %c0_i32_1 = arith.constant 0 : i32
    return %arg0, %c0_i32, %c0_i32_0 : i32, i32, i32
  }
}

module attributes {stable_mosaic.version = 14 : i64} {
  func.func @_iface_body(%arg0: memref<64x512xf32, #tpu.memory_space<vmem>>, %arg1: memref<578x512xf32, #tpu.memory_space<vmem>>, %arg2: memref<1x578xf32, #tpu.memory_space<vmem>>, %arg3: memref<64x512xf32, #tpu.memory_space<vmem>>, %arg4: memref<64x64xf32, #tpu.memory_space<vmem>>, %arg5: memref<64x16xf32, #tpu.memory_space<vmem>>) attributes {dimension_semantics = [], scalar_prefetch = 0 : i64, scratch_operands = 0 : i64, tpu.core_type = #tpu.core_type<tc>} {
    %get3A = arith.constant 0 : index
    %get3A_0 = arith.constant 0 : index
    %get3A_1 = vector.load %arg0[%get3A, %get3A_0] : memref<64x512xf32, #tpu.memory_space<vmem>>, vector<64x512xf32>
    %get3A_2 = arith.constant 0 : index
    %get3A_3 = arith.constant 0 : index
    %get3A_4 = vector.load %arg1[%get3A_2, %get3A_3] : memref<578x512xf32, #tpu.memory_space<vmem>>, vector<578x512xf32>
    %dot_general3A = arith.constant dense<0.000000e+00> : vector<64x578xf32>
    %dot_general3A_5 = tpu.matmul %get3A_1, %get3A_4, %dot_general3A {dimension_numbers = #tpu.dot_dimension_numbers<[1], [1], [0], [0], [0, 0, 1, 0], [], []>, transpose_lhs_hint = false} : vector<64x512xf32>, vector<578x512xf32>, vector<64x578xf32> -> vector<64x578xf32>
    %get3A_6 = arith.constant 0 : index
    %get3A_7 = arith.constant 0 : index
    %get3A_8 = vector.load %arg2[%get3A_6, %get3A_7] : memref<1x578xf32, #tpu.memory_space<vmem>>, vector<1x578xf32>
    %add3A = vector.broadcast %get3A_8 : vector<1x578xf32> to vector<64x578xf32>
    %add3A_9 = arith.addf %dot_general3A_5, %add3A : vector<64x578xf32>
    %slice3A = vector.extract_strided_slice %add3A_9 {offsets = [0, 0], sizes = [64, 512], strides = [1, 1]} : vector<64x578xf32> to vector<64x512xf32>
    %swap3A = arith.constant 0 : index
    %swap3A_10 = arith.constant 0 : index
    %swap3A_11 = vector.load %arg3[%swap3A, %swap3A_10] : memref<64x512xf32, #tpu.memory_space<vmem>>, vector<64x512xf32>
    tpu.vector_store %arg3[%swap3A, %swap3A_10], %slice3A {strides = array<i32>} : memref<64x512xf32, #tpu.memory_space<vmem>>, vector<64x512xf32>,
    %slice3A_12 = vector.extract_strided_slice %add3A_9 {offsets = [0, 512], sizes = [64, 64], strides = [1, 1]} : vector<64x578xf32> to vector<64x64xf32>
    %tanh3A = math.tanh %slice3A_12 : vector<64x64xf32>
    %swap3A_13 = arith.constant 0 : index
    %swap3A_14 = arith.constant 0 : index
    %swap3A_15 = vector.load %arg4[%swap3A_13, %swap3A_14] : memref<64x64xf32, #tpu.memory_space<vmem>>, vector<64x64xf32>
    tpu.vector_store %arg4[%swap3A_13, %swap3A_14], %tanh3A {strides = array<i32>} : memref<64x64xf32, #tpu.memory_space<vmem>>, vector<64x64xf32>,
    %slice3A_16 = vector.extract_strided_slice %add3A_9 {offsets = [0, 576], sizes = [64, 1], strides = [1, 1]} : vector<64x578xf32> to vector<64x1xf32>
    %logistic3A = arith.negf %slice3A_16 : vector<64x1xf32>
    %logistic3A_17 = math.exp %logistic3A : vector<64x1xf32>
    %logistic3A_18 = arith.constant 1.000000e+00 : f32
    %logistic3A_19 = vector.broadcast %logistic3A_18 : f32 to vector<64x1xf32>
    %logistic3A_20 = arith.addf %logistic3A_19, %logistic3A_17 : vector<64x1xf32>
    %logistic3A_21 = arith.divf %logistic3A_19, %logistic3A_20 : vector<64x1xf32>
    %slice3A_22 = vector.extract_strided_slice %add3A_9 {offsets = [0, 577], sizes = [64, 1], strides = [1, 1]} : vector<64x578xf32> to vector<64x1xf32>
    %logistic3A_23 = arith.negf %slice3A_22 : vector<64x1xf32>
    %logistic3A_24 = math.exp %logistic3A_23 : vector<64x1xf32>
    %logistic3A_25 = arith.constant 1.000000e+00 : f32
    %logistic3A_26 = vector.broadcast %logistic3A_25 : f32 to vector<64x1xf32>
    %logistic3A_27 = arith.addf %logistic3A_26, %logistic3A_24 : vector<64x1xf32>
    %logistic3A_28 = arith.divf %logistic3A_26, %logistic3A_27 : vector<64x1xf32>
    %broadcast_in_dim3A = arith.constant 0.000000e+00 : f32
    %broadcast_in_dim3A_29 = vector.broadcast %broadcast_in_dim3A : f32 to vector<64x14xf32>
    %concatenate3A = tpu.concatenate %logistic3A_21, %logistic3A_28, %broadcast_in_dim3A_29 in 1 : vector<64x1xf32>, vector<64x1xf32>, vector<64x14xf32> -> vector<64x16xf32>
    %swap3A_30 = arith.constant 0 : index
    %swap3A_31 = arith.constant 0 : index
    %swap3A_32 = vector.load %arg5[%swap3A_30, %swap3A_31] : memref<64x16xf32, #tpu.memory_space<vmem>>, vector<64x16xf32>
    tpu.vector_store %arg5[%swap3A_30, %swap3A_31], %concatenate3A {strides = array<i32>} : memref<64x16xf32, #tpu.memory_space<vmem>>, vector<64x16xf32>,
    return
  }
}

module attributes {stable_mosaic.version = 14 : i64} {
  func.func @_attn_body(%arg0: i32, %arg1: memref<1x8x64xf32, #tpu.memory_space<vmem>>, %arg2: memref<1x72x64xf32, #tpu.memory_space<vmem>>, %arg3: memref<1x1x64xf32, #tpu.memory_space<vmem>>, %arg4: memref<1x1x16xf32, #tpu.memory_space<vmem>>, %arg5: memref<1x8x64xf32, #tpu.memory_space<vmem>>, %arg6: memref<1x72x64xf32, #tpu.memory_space<vmem>>) attributes {dimension_semantics = [#tpu.dimension_semantics<arbitrary>], iteration_bounds = array<i64: 64>, scalar_prefetch = 0 : i64, scratch_operands = 0 : i64, tpu.core_type = #tpu.core_type<tc>, window_params = [{transform_indices = @transform_0, window_bounds = array<i64: 1, 8, 64>}, {transform_indices = @transform_1, window_bounds = array<i64: 1, 72, 64>}, {transform_indices = @transform_2, window_bounds = array<i64: 1, 1, 64>}, {transform_indices = @transform_3, window_bounds = array<i64: 1, 1, 16>}, {transform_indices = @transform_4, window_bounds = array<i64: 1, 8, 64>}, {transform_indices = @transform_5, window_bounds = array<i64: 1, 72, 64>}]} {
    %get3A = arith.constant 0 : index
    %get3A_0 = arith.constant 0 : index
    %get3A_1 = arith.constant 0 : index
    %get3A_2 = vector.load %arg1[%get3A, %get3A_0, %get3A_1] : memref<1x8x64xf32, #tpu.memory_space<vmem>>, vector<1x8x64xf32>
    %get3A_3 = vector.shape_cast %get3A_2 : vector<1x8x64xf32> to vector<8x64xf32>
    %get3A_4 = arith.constant 0 : index
    %get3A_5 = arith.constant 0 : index
    %get3A_6 = arith.constant 0 : index
    %get3A_7 = vector.load %arg2[%get3A_4, %get3A_5, %get3A_6] : memref<1x72x64xf32, #tpu.memory_space<vmem>>, vector<1x72x64xf32>
    %get3A_8 = vector.shape_cast %get3A_7 : vector<1x72x64xf32> to vector<72x64xf32>
    %dot_general3A = arith.constant dense<0.000000e+00> : vector<8x72xf32>
    %dot_general3A_9 = tpu.matmul %get3A_3, %get3A_8, %dot_general3A {dimension_numbers = #tpu.dot_dimension_numbers<[1], [1], [0], [0], [0, 0, 1, 0], [], []>, transpose_lhs_hint = false} : vector<8x64xf32>, vector<72x64xf32>, vector<8x72xf32> -> vector<8x72xf32>
    %iota3A = tpu.iota {dimensions = array<i32: 1>} : vector<8x72xi32>
    %lt3A = arith.constant 65 : i32
    %lt3A_10 = vector.broadcast %lt3A : i32 to vector<8x72xi32>
    %lt3A_11 = arith.cmpi slt, %iota3A, %lt3A_10 : vector<8x72xi32>
    %jit3A = arith.constant -3.000000e+38 : f32
    %broadcast_in_dim3A = vector.broadcast %jit3A : f32 to vector<8x72xf32>
    %select_n3A = arith.select %lt3A_11, %dot_general3A_9, %broadcast_in_dim3A : vector<8x72xi1>, vector<8x72xf32>
    %reduce_max3A = arith.constant dense<0xFF800000> : vector<8xf32>
    %reduce_max3A_12 = vector.multi_reduction <maximumf>, %select_n3A, %reduce_max3A [1] : vector<8x72xf32> to vector<8xf32>
    %broadcast_in_dim3A_13 = vector.shape_cast %reduce_max3A_12 : vector<8xf32> to vector<8x1xf32>
    %sub3A = vector.broadcast %broadcast_in_dim3A_13 : vector<8x1xf32> to vector<8x72xf32>
    %sub3A_14 = arith.subf %select_n3A, %sub3A : vector<8x72xf32>
    %exp3A = math.exp %sub3A_14 : vector<8x72xf32>
    %lt3A_15 = arith.constant 65 : i32
    %lt3A_16 = vector.broadcast %lt3A_15 : i32 to vector<8x72xi32>
    %lt3A_17 = arith.cmpi slt, %iota3A, %lt3A_16 : vector<8x72xi32>
    %jit3A_18 = arith.constant 0.000000e+00 : f32
    %broadcast_in_dim3A_19 = vector.broadcast %jit3A_18 : f32 to vector<8x72xf32>
    %select_n3A_20 = arith.select %lt3A_17, %exp3A, %broadcast_in_dim3A_19 : vector<8x72xi1>, vector<8x72xf32>
    %reduce_sum3A = arith.constant dense<0.000000e+00> : vector<8xf32>
    %reduce_sum3A_21 = vector.multi_reduction <add>, %select_n3A_20, %reduce_sum3A [1] : vector<8x72xf32> to vector<8xf32>
    %broadcast_in_dim3A_22 = vector.shape_cast %reduce_sum3A_21 : vector<8xf32> to vector<8x1xf32>
    %div3A = vector.broadcast %broadcast_in_dim3A_22 : vector<8x1xf32> to vector<8x72xf32>
    %div3A_23 = arith.divf %select_n3A_20, %div3A : vector<8x72xf32>
    %dot_general3A_24 = arith.constant dense<0.000000e+00> : vector<8x64xf32>
    %dot_general3A_25 = tpu.matmul %div3A_23, %get3A_8, %dot_general3A_24 {dimension_numbers = #tpu.dot_dimension_numbers<[1], [0], [0], [1], [0, 0, 1, 1], [], []>, transpose_lhs_hint = false} : vector<8x72xf32>, vector<72x64xf32>, vector<8x64xf32> -> vector<8x64xf32>
    %swap3A = arith.constant 0 : index
    %swap3A_26 = arith.constant 0 : index
    %swap3A_27 = arith.constant 0 : index
    %swap3A_28 = vector.load %arg5[%swap3A, %swap3A_26, %swap3A_27] : memref<1x8x64xf32, #tpu.memory_space<vmem>>, vector<1x8x64xf32>
    %swap3A_29 = vector.shape_cast %swap3A_28 : vector<1x8x64xf32> to vector<8x64xf32>
    %swap3A_30 = vector.shape_cast %dot_general3A_25 : vector<8x64xf32> to vector<1x8x64xf32>
    tpu.vector_store %arg5[%swap3A, %swap3A_26, %swap3A_27], %swap3A_30 {strides = array<i32>} : memref<1x8x64xf32, #tpu.memory_space<vmem>>, vector<1x8x64xf32>,
    %get3A_31 = arith.constant 0 : index
    %get3A_32 = arith.constant 0 : index
    %get3A_33 = arith.constant 0 : index
    %get3A_34 = vector.load %arg4[%get3A_31, %get3A_32, %get3A_33] : memref<1x1x16xf32, #tpu.memory_space<vmem>>, vector<1x1x16xf32>
    %get3A_35 = vector.shape_cast %get3A_34 : vector<1x1x16xf32> to vector<16xf32>
    %slice3A = vector.extract_strided_slice %get3A_35 {offsets = [0], sizes = [1], strides = [1]} : vector<16xf32> to vector<1xf32>
    %squeeze3A = vector.extract %slice3A[0] : f32 from vector<1xf32>
    %slice3A_36 = vector.extract_strided_slice %get3A_35 {offsets = [1], sizes = [1], strides = [1]} : vector<16xf32> to vector<1xf32>
    %squeeze3A_37 = vector.extract %slice3A_36[0] : f32 from vector<1xf32>
    %reduce_sum3A_38 = arith.constant dense<0.000000e+00> : vector<72xf32>
    %reduce_sum3A_39 = vector.multi_reduction <add>, %div3A_23, %reduce_sum3A_38 [0] : vector<8x72xf32> to vector<72xf32>
    %div3A_40 = arith.constant 8.000000e+00 : f32
    %div3A_41 = vector.broadcast %div3A_40 : f32 to vector<72xf32>
    %div3A_42 = arith.divf %reduce_sum3A_39, %div3A_41 : vector<72xf32>
    %mul3A = vector.broadcast %squeeze3A : f32 to vector<72xf32>
    %mul3A_43 = arith.mulf %mul3A, %div3A_42 : vector<72xf32>
    %sub3A_44 = arith.constant 1.000000e+00 : f32
    %sub3A_45 = arith.subf %sub3A_44, %squeeze3A : f32
    %div3A_46 = arith.constant 6.500000e+01 : f32
    %div3A_47 = arith.divf %sub3A_45, %div3A_46 : f32
    %add3A = vector.broadcast %div3A_47 : f32 to vector<72xf32>
    %add3A_48 = arith.addf %mul3A_43, %add3A : vector<72xf32>
    %mul3A_49 = vector.broadcast %squeeze3A_37 : f32 to vector<72xf32>
    %mul3A_50 = arith.mulf %mul3A_49, %add3A_48 : vector<72xf32>
    %get3A_51 = arith.constant 0 : index
    %get3A_52 = arith.constant 0 : index
    %get3A_53 = arith.constant 0 : index
    %get3A_54 = vector.load %arg3[%get3A_51, %get3A_52, %get3A_53] : memref<1x1x64xf32, #tpu.memory_space<vmem>>, vector<1x1x64xf32>
    %get3A_55 = vector.shape_cast %get3A_54 : vector<1x1x64xf32> to vector<64xf32>
    %broadcast_in_dim3A_56 = vector.shape_cast %mul3A_50 : vector<72xf32> to vector<72x1xf32>
    %sub3A_57 = arith.constant 1.000000e+00 : f32
    %sub3A_58 = vector.broadcast %sub3A_57 : f32 to vector<72x1xf32>
    %sub3A_59 = arith.subf %sub3A_58, %broadcast_in_dim3A_56 : vector<72x1xf32>
    %mul3A_60 = vector.broadcast %sub3A_59 : vector<72x1xf32> to vector<72x64xf32>
    %mul3A_61 = arith.mulf %get3A_8, %mul3A_60 : vector<72x64xf32>
    %broadcast_in_dim3A_62 = vector.shape_cast %mul3A_50 : vector<72xf32> to vector<72x1xf32>
    %broadcast_in_dim3A_63 = vector.shape_cast %get3A_55 : vector<64xf32> to vector<1x64xf32>
    %mul3A_64 = vector.broadcast %broadcast_in_dim3A_62 : vector<72x1xf32> to vector<72x64xf32>
    %mul3A_65 = vector.broadcast %broadcast_in_dim3A_63 : vector<1x64xf32> to vector<72x64xf32>
    %mul3A_66 = arith.mulf %mul3A_64, %mul3A_65 : vector<72x64xf32>
    %add3A_67 = arith.addf %mul3A_61, %mul3A_66 : vector<72x64xf32>
    %slice3A_68 = vector.extract_strided_slice %add3A_67 {offsets = [64, 0], sizes = [1, 64], strides = [1, 1]} : vector<72x64xf32> to vector<1x64xf32>
    %iota3A_69 = tpu.iota {dimensions = array<i32: 0>} : vector<72x64xi32>
    %lt3A_70 = arith.constant 65 : i32
    %lt3A_71 = vector.broadcast %lt3A_70 : i32 to vector<72x64xi32>
    %lt3A_72 = arith.cmpi slt, %iota3A_69, %lt3A_71 : vector<72x64xi32>
    %broadcast_in_dim3A_73 = vector.shape_cast %slice3A_68 : vector<1x64xf32> to vector<1x64xf32>
    %broadcast_in_dim3A_74 = vector.broadcast %broadcast_in_dim3A_73 : vector<1x64xf32> to vector<72x64xf32>
    %select_n3A_75 = arith.select %lt3A_72, %add3A_67, %broadcast_in_dim3A_74 : vector<72x64xi1>, vector<72x64xf32>
    %swap3A_76 = arith.constant 0 : index
    %swap3A_77 = arith.constant 0 : index
    %swap3A_78 = arith.constant 0 : index
    %swap3A_79 = vector.load %arg6[%swap3A_76, %swap3A_77, %swap3A_78] : memref<1x72x64xf32, #tpu.memory_space<vmem>>, vector<1x72x64xf32>
    %swap3A_80 = vector.shape_cast %swap3A_79 : vector<1x72x64xf32> to vector<72x64xf32>
    %swap3A_81 = vector.shape_cast %select_n3A_75 : vector<72x64xf32> to vector<1x72x64xf32>
    tpu.vector_store %arg6[%swap3A_76, %swap3A_77, %swap3A_78], %swap3A_81 {strides = array<i32>} : memref<1x72x64xf32, #tpu.memory_space<vmem>>, vector<1x72x64xf32>,
    return
  }
  func.func @transform_0(%arg0: i32) -> (i32, i32, i32) {
    %c0_i32 = arith.constant 0 : i32
    %c0_i32_0 = arith.constant 0 : i32
    %c0_i32_1 = arith.constant 0 : i32
    return %arg0, %c0_i32, %c0_i32_0 : i32, i32, i32
  }
  func.func @transform_1(%arg0: i32) -> (i32, i32, i32) {
    %c0_i32 = arith.constant 0 : i32
    %c0_i32_0 = arith.constant 0 : i32
    %c0_i32_1 = arith.constant 0 : i32
    return %arg0, %c0_i32, %c0_i32_0 : i32, i32, i32
  }
  func.func @transform_2(%arg0: i32) -> (i32, i32, i32) {
    %c0_i32 = arith.constant 0 : i32
    %c0_i32_0 = arith.constant 0 : i32
    %c0_i32_1 = arith.constant 0 : i32
    return %arg0, %c0_i32, %c0_i32_0 : i32, i32, i32
  }
  func.func @transform_3(%arg0: i32) -> (i32, i32, i32) {
    %c0_i32 = arith.constant 0 : i32
    %c0_i32_0 = arith.constant 0 : i32
    %c0_i32_1 = arith.constant 0 : i32
    return %arg0, %c0_i32, %c0_i32_0 : i32, i32, i32
  }
  func.func @transform_4(%arg0: i32) -> (i32, i32, i32) {
    %c0_i32 = arith.constant 0 : i32
    %c0_i32_0 = arith.constant 0 : i32
    %c0_i32_1 = arith.constant 0 : i32
    return %arg0, %c0_i32, %c0_i32_0 : i32, i32, i32
  }
  func.func @transform_5(%arg0: i32) -> (i32, i32, i32) {
    %c0_i32 = arith.constant 0 : i32
    %c0_i32_0 = arith.constant 0 : i32
    %c0_i32_1 = arith.constant 0 : i32
    return %arg0, %c0_i32, %c0_i32_0 : i32, i32, i32
  }
}

</mosaic_0001>

<sc_bundles>
// kernel: kernel.10.cloned.1.call-start
scs
__scs_entry_jumppad:
0x0: {  	(pc) =	sbr.rel $0x88, $3  }
0x1: {  	(tag) =	ssettag $0x0;
	lr =	simm.s32 $0x1  }
0x2: {  	[smem:$0x3F9D] =	sst lr;
	_ =	strace $0xD0000000  }
0x3: {  	_ = 	snop  }
0x4: {  	_ = 	snop  }
0x5: {  	_ = 	snop  }
0x6: {  	_ = 	snop  }
0x7: {  	_ = 	snop  }
__scs_overlays_trampoline_lowered:
0x8: {  	[smem:$0x3FAC] =	sst s0  }
0x9: {  	[smem:$0x3FAD] =	sst s1  }
0xa: {  	[smem:$0x3FAE] =	sst s2  }
0xb: {  	[smem:$0x3FAF] =	sst s3  }
0xc: {  	[smem:$0x3FB0] =	sst s4  }
0xd: {  	[smem:$0x3FB1] =	sst s5  }
0xe: {  	[smem:$0x3FB2] =	sst s6  }
0xf: {  	[smem:$0x3FB3] =	sst s7  }
0x10: {  	[smem:$0x3FB4] =	sst s8  }
0x11: {  	[smem:$0x3FB5] =	sst s9;
	s0 =	simm.s32 @!p0 $0x0  }
0x12: {  	s1 =	sld [smem:$0x3F9B];
	s0 =	simm.s32 @p0 $0x1  }
0x13: {  	[smem:$0x3FB6] =	sst s0;
	s0 =	simm.s32 @!p1 $0x0  }
0x14: {  	s2 =	sld [smem:$0x3F9A];
	s0 =	simm.s32 @p1 $0x1  }
0x15: {  	[smem:$0x3FB7] =	sst s0;
	s0 =	simm.s32 @!p2 $0x0  }
0x16: {  	s3 =	sld [smem:$0x3FDB];
	s0 =	simm.s32 @p2 $0x1  }
0x17: {  	s4 =	simm.s32 $0x1BF5;
	[smem:$0x3FB9] =	sst s0  }
0x18: {  	s0 =	sld [smem:$0x3F9C];
	_ =	swait.ge [sflag:s4], $0x0  }
0x19: {  	s7 =	sld [smem:$0x3F9D]  }
0x1a: {  	s8 =	sadd.s32 $0xFFFFE003, lr  }
0x1b: {  	s9 =	sadd.s32 $0xFFFFFEF7, lr;
	s5 =	simm.s32 $0xFFFFFFFF;
	p2 =	slt.u32 s8, $0xFFFFF086  }
0x1c: {  	p1 =	slt.u32 s9, $0xF7A;
	s5 =	simm.s32 @!p2 $0x0  }
0x1d: {  	s5 =	simm.s32 @p1 $0x1;
	p0 =	seq.s32 s7, s2  }
0x1e: {  	s7 =	smul.u32 @!p0 $0xF7A, s2;
	p2 =	seq.s32 @!p0 s5, $0x0  }
0x1f: {  	s9 =	smul.u32 $0xF7A, s1;
	s8 =	simm.s32 @!p0 $0x1BF5;
	p2 =	por !p2, p0  }
0x20: {  	[sflag:s8] =	ssyncset.s32 @!p0 $0xFFFFF086;
	s6 =	sadd.s32 @!p0 s3, s7;
	s7 =	simm.s32 @!p0 $0x108  }
0x21: {  	s3 =	sadd.s32 s3, s9;
	s6 =	sadd.s32 @!p0 $0x88, s6;
	s7 =	simm.s32 @p2 $0x1082  }
0x22: {  	[simem:s7], [sflag:s8] =	dma.local @!p0 [hbm:s6], $0xF7A  }
0x23: {  	s9 =	sor.u32 $0xD0000000, s2;
	s6 =	simm.s32 $0x108;
	_ =	swait.ge @!p0 [sflag:s8], $0x0  }
0x24: {  	s3 =	sadd.s32 $0x88, s3;
	s6 =	simm.s32 @!p1 $0x1082;
	[sflag:s4] =	ssyncset.s32 $0xFFFFF086  }
0x25: {  	[simem:s6], [sflag:s4] =	dma.local [hbm:s3], $0xF7A  }
0x26: {  	[smem:$0x3F9D] =	sst s1;
	(tag) =	ssettag s2;
	_ =	strace s9  }
0x27: {  	s1 =	sld [smem:$0x3FAD]  }
0x28: {  	s2 =	sld [smem:$0x3FAE]  }
0x29: {  	s4 =	sld [smem:$0x3FB0]  }
0x2a: {  	p0 =	seq.s32 s5, $0x0;
	s5 =	sld [smem:$0x3FB1]  }
0x2b: {  	s6 =	sld [smem:$0x3FB2]  }
0x2c: {  	s7 =	sld [smem:$0x3FB3]  }
0x2d: {  	s3 =	simm.s32 $0x108;
	s8 =	sld [smem:$0x3FB4]  }
0x2e: {  	s3 =	simm.s32 @!p0 $0x1082;
	s9 =	sld [smem:$0x3FB5]  }
0x2f: {  	lr =	sadd.s32 s0, s3;
	s0 =	sld [smem:$0x3FAC]  }
0x30: {  	s3 =	sld [smem:$0x3FAF]  }
0x31: {  	[smem:$0x3FB8] =	sst s10  }
0x32: {  	s10 =	sld [smem:$0x3FB6];
	_ =	sdelay $0x3  }
0x33: {  	p0 =	seq.s32 s10, $0x1;
	s10 =	sld [smem:$0x3FB8];
	_ =	sdelay $0x3  }
0x34: {  	[smem:$0x3FB8] =	sst s10  }
0x35: {  	s10 =	sld [smem:$0x3FB7];
	_ =	sdelay $0x3  }
0x36: {  	p1 =	seq.s32 s10, $0x1;
	s10 =	sld [smem:$0x3FB8];
	_ =	sdelay $0x3  }
0x37: {  	[smem:$0x3FB8] =	sst s10  }
0x38: {  	s10 =	sld [smem:$0x3FB9]  }
0x39: {  	_ = 	snop;
	(pc) =	sbr.ind lr, $3  }
0x3a: {  	_ = 	snop  }
0x3b: {  	_ = 	snop  }
0x3c: {  	p2 =	seq.s32 s10, $0x1;
	s10 =	sld [smem:$0x3FB8]  }
0x3d: {  	_ =	shalt  }
0x3e: {  	_ =	shalt  }
0x3f: {  	_ =	shalt  }
0x40: {  	_ =	shalt  }
0x41: {  	_ =	shalt  }
0x42: {  	_ =	shalt  }
0x43: {  	_ =	shalt  }
0x44: {  	_ =	shalt  }
0x45: {  	_ =	shalt  }
0x46: {  	_ =	shalt  }
0x47: {  	_ =	shalt  }
0x48: {  	_ =	shalt  }
0x49: {  	_ =	shalt  }
0x4a: {  	_ =	shalt  }
0x4b: {  	_ =	shalt  }
0x4c: {  	_ =	shalt  }
0x4d: {  	_ =	shalt  }
0x4e: {  	_ =	shalt  }
0x4f: {  	_ =	shalt  }
0x50: {  	_ =	shalt  }
0x51: {  	_ =	shalt  }
0x52: {  	_ =	shalt  }
0x53: {  	_ =	shalt  }
0x54: {  	_ =	shalt  }
0x55: {  	_ =	shalt  }
0x56: {  	_ =	shalt  }
0x57: {  	_ =	shalt  }
0x58: {  	_ =	shalt  }
0x59: {  	_ =	shalt  }
0x5a: {  	_ =	shalt  }
0x5b: {  	_ =	shalt  }
0x5c: {  	_ =	shalt  }
0x5d: {  	_ =	shalt  }
0x5e: {  	_ =	shalt  }
0x5f: {  	_ =	shalt  }
0x60: {  	_ =	shalt  }
0x61: {  	_ =	shalt  }
0x62: {  	_ =	shalt  }
0x63: {  	_ =	shalt  }
0x64: {  	_ =	shalt  }
0x65: {  	_ =	shalt  }
0x66: {  	_ =	shalt  }
0x67: {  	_ =	shalt  }
0x68: {  	_ =	shalt  }
0x69: {  	_ =	shalt  }
0x6a: {  	_ =	shalt  }
0x6b: {  	_ =	shalt  }
0x6c: {  	_ =	shalt  }
0x6d: {  	_ =	shalt  }
0x6e: {  	_ =	shalt  }
0x6f: {  	_ =	shalt  }
0x70: {  	_ =	shalt  }
0x71: {  	_ =	shalt  }
0x72: {  	_ =	shalt  }
0x73: {  	_ =	shalt  }
0x74: {  	_ =	shalt  }
0x75: {  	_ =	shalt  }
0x76: {  	_ =	shalt  }
0x77: {  	_ =	shalt  }
0x78: {  	_ =	shalt  }
0x79: {  	_ =	shalt  }
0x7a: {  	_ =	shalt  }
0x7b: {  	_ =	shalt  }
0x7c: {  	_ =	shalt  }
0x7d: {  	_ =	shalt  }
0x7e: {  	_ =	shalt  }
0x7f: {  	_ =	shalt  }
0x80: {  	_ =	shalt  }
0x81: {  	_ =	shalt  }
0x82: {  	_ =	shalt  }
0x83: {  	_ =	shalt  }
0x84: {  	_ =	shalt  }
0x85: {  	_ =	shalt  }
0x86: {  	_ =	shalt  }
0x87: {  	_ =	shalt  }
.Lfunc_end0:
.L_simem_size_0:
called_computation.2_lowered:
.L_overlay_start_0:
0x88: {  	s2 =	sld [smem:$0x3FD9]  }
0x89: {  	s3 =	sld [smem:$0x3FFE];
	_ =	sdelay $0x1  }
0x8a: {  	s1 =	srdreg.scid  }
0x8b: {  	s0 =	sand.u32 $0x1, s1  }
0x8c: {  	s14 =	sshll.u32 s0, $0xA;
	s2 =	sadd.s32 s3, s2  }
0x8d: {  	s2 =	sadd.s32 s2, s14  }
0x8e: {  	[smem:$0x3FC4] =	sst s2  }
0x8f: {  	_ = 	snop  }
0x90: {  	s2 =	sld [smem:$0x3FD0];
	_ =	sdelay $0x2  }
0x91: {  	s15 =	simm.s32 $0xA;
	s4 =	simm.s32 $0x10  }
0x92: {  	[smem:s4], [sflag:s15] =	dma.local [hbm:s2], $0x1  }
0x93: {  	_ =	swait.eq [sflag:s15], $0x1  }
0x94: {  	[sflag:s15] =	ssyncset.done $0x0  }
0x95: {  	[sflag:s15] =	ssyncadd.s32 $0xFFFFFFFF  }
0x96: {  	s16 =	sld [smem:$0x11];
	(tm) =	ssettm $0x1  }
0x97: {  	s17 =	sld [smem:$0x3FFB];
	_ =	sdelay $0x3  }
0x98: {  	_ =	strace s17  }
0x99: {  	s3 =	sld [smem:$0x3FFC];
	_ =	sdelay $0x3  }
0x9a: {  	_ =	strace s3  }
0x9b: {  	s3 =	sld [smem:$0x3FFD];
	_ =	sdelay $0x3  }
0x9c: {  	_ =	strace s3  }
0x9d: {  	_ =	strace $0x8FFFFFFF  }
0x9e: {  	s18 =	sld [smem:$0x3FDB];
	_ =	sdelay $0x1  }
0x9f: {  	s19 =	simm.s32 $_scs_section_size  }
0xa0: {  	s5 =	simm.s32 $_size__tile_overlayer_lowered;
	s6 =	simm.s32 $_tile_overlayer_lowered  }
0xa1: {  	s22 =	simm.s32 $0x1BFF;
	s21 =	sshll.u32 s6, $0x1;
	s3 =	sadd.s32 s19, s18  }
0xa2: {  	s7 =	simm.s32 $0x0;
	s20 =	sshll.u32 s5, $0x1;
	s5 =	sadd.s32 s21, s3  }
0xa3: {  	[timem:s7], [sflag:s22] =	dma.local [hbm:s5], s20  }
0xa4: {  	_ =	swait.ge [sflag:s22], s20  }
0xa5: {  	s4 =	ssub.s32 $0x0, s20;
	[sflag:s22] =	ssyncset.done $0x0  }
0xa6: {  	[sflag:s22] =	ssyncadd.s32 s4;
	_ =	sdelay $0x1  }
0xa7: {  	s23 =	simm.s32 $0x1B8B  }
0xa8: {  	_ =	swait.ge [sflag:s23], $0x1  }
0xa9: {  	[sflag:s23] =	ssyncset.done $0x0  }
0xaa: {  	s25 =	simm.s32 $0x1B8E;
	s24 =	sld [smem:$0x3FFE];
	[sflag:s23] =	ssyncadd.s32 $0xFFFFFFFF  }
0xab: {  	s26 =	simm.s32 $execute0_lowered;
	[smem:$0x3FD2] =	sst s25  }
0xac: {  	s5 =	sshll.u32 s26, $0x1;
	_ =	strace $0x80000049;
	[dreg:$0x1] =	wrdreg $0xFFFFFFFF  }
0xad: {  	s28 =	simm.s32 $_size_execute0_lowered;
	s3 =	sadd.s32 s3, s5;
	[dreg:$0x0] =	wrdreg $0x0  }
0xae: {  	s5 =	sshll.u32 s28, $0x1;
	[dreg:$0x2] =	wrdreg s3  }
0xaf: {  	[dreg:$0x3] =	wrdreg s5  }
0xb0: {  	[dreg:$0x4] =	wrdreg $0xC0  }
0xb1: {  	_ =	task [dreg:s7], $0x5FFFF  }
0xb2: {  	[dreg:$0x1] =	wrdreg $0xFFFFFFFF  }
0xb3: {  	[dreg:$0x0] =	wrdreg $0x60  }
0xb4: {  	[dreg:$0x2] =	wrdreg s24  }
0xb5: {  	[dreg:$0x3] =	wrdreg s16  }
0xb6: {  	[dreg:$0x4] =	wrdreg $0x9  }
0xb7: {  	_ =	task.clear_ibuf [dreg:s7], $0x5FFFF;
	_ =	strace $0x90000049  }
0xb8: {  	s29 =	simm.s32 $0x9;
	_ =	strace $0x8000004B  }
0xb9: {  	_ =	swait.ge [sflag:s29], $0x1  }
0xba: {  	[sflag:s29] =	ssyncadd.s32 $0xFFFFFFFF  }
0xbb: {  	_ =	strace $0x9000004B  }
0xbc: {  	_ =	sfence  }
0xbd: {  	s30 =	sld [smem:$0x0];
	_ =	sdelay $0x2  }
0xbe: {  	s31 =	sshll.u32 s1, $0xD;
	s1 =	sshrl.u32 s1, $0x2  }
0xbf: {  	s3 =	sand.u32 $0x4000, s31;
	s1 =	sadd.s32 s1, s30  }
0xc0: {  	s0 =	sor.u32 s3, s0;
	s1 =	sshll.u32 s1, $0x11  }
0xc1: {  	s0 =	sor.u32 s1, s0  }
0xc2: {  	s0 =	sadd.s32 $0x8F2B, s0  }
0xc3: {  	[sflag:s0] =	ssyncadd.remote.s32 $0x1  }
0xc4: {  	_ =	sfence.sel $0xFFFF  }
0xc5: {  	[dreg:$0x0] =	wrdreg $0xFFFFFFFF;
	(pc) =	sbr.abs _section_cstart, $3  }
0xc6: {  	[dreg:$0x1] =	wrdreg $0xFFFFFFFF  }
0xc7: {  	_ =	task.clear_ibuf [dreg:s7], $0x2FFFF;
	_ =	strace $0x9FFFFFFF  }
0xc8: {  	(tm) =	ssettm $0x7FFFFFFF  }
0xc9: {  	_ =	shalt  }
tec
execute0_lowered:
.L_overlay_start_1:
0x0: {  	(tag) =	ssettag $0x1  }
0x1: {  	s3 =	rddreg [dreg:$0x0]  }
0x2: {  	s8 =	rddreg [dreg:$0x1]  }
0x3: {  	s0 =	rddreg [dreg:$0x2];
	s1 =	simm.s32 $0x0  }
0x4: {  	s4 =	srdreg.scid;
	s2 =	stileid.u32;
	s17 =	simm.s32 $0x5  }
0x5: {  	s18 =	simm.s32 $0x48;
	s19 =	simm.s32 $0x4;
	s20 =	simm.s32 $0x0  }
0x6: {  	[smem:$0x7FF] =	sst s1;
	s7 =	sadd.s32 $0x1004A00, s3;
	s9 =	sand.u32 $0x1, s4  }
0x7: {  	s10 =	sadd.s32 $0x4600, s3;
	s5 =	sshll.u32 s2, $0x1;
	s3 =	sadd.s32 $0xD600, s3  }
0x8: {  	s28 =	sshll.u32 s2, $0x13;
	_ =	strace $0x8000004A;
	s4 =	ssub.s32 $0x2, s9  }
0x9: {  	s5 =	sor.u32 s9, s5;
	s29 =	sadd.s32 s28, s8;
	s16 =	sshll.u32 s9, $0x12  }
0xa: {  	s31 =	sadd.s32 s28, s3;
	s6 =	sshrl.u32 s4, $0x1;
	s12 =	smul.u32 $0x12, s5  }
0xb: {  	s24 =	sshll.u32 s5, $0x12;
	s13 =	smul.u32 $0x480, s5;
	s14 =	sshllo.u32 s5, $0x1  }
0xc: {  	s30 =	sadd.s32 s16, s29;
	s11 =	ssub.s32 s4, s6;
	s25 =	smul.u32 $0x9, s14  }
0xd: {  	s4 =	sadd.s32 s8, s24;
	s15 =	sadd.s32 s3, s24;
	s26 =	smul.u32 $0x240, s14  }
0xe: {  	s14 =	simm.s32 $0x3;
	s5 =	sadd.s32 s7, s12;
	s6 =	sadd.s32 s10, s13  }
0xf: {  	s9 =	smax.u32 s11, $0x1;
	s11 =	sadd.s32 $0x1000, s30;
	s12 =	sadd.s32 s16, s31  }
0x10: {  	s13 =	simm.s32 $0x1248;
	s16 =	simm.s32 $0x9248;
	s7 =	sadd.s32 s7, s25  }
0x11: {  	s8 =	sadd.s32 s10, s26;
	s10 =	sadd.s32 $0x3F000, s15;
	s15 =	simm.s32 $0x2  }
.LBB2_1:
0x12: {  	[tilespmem:s13], [sflag:$0x1] =	stream.linear.gather [hbm4b:s4+s1], $0x8000, $0x38;
	[tilespmem:$0x11248] =	vst v63  }
0x13: {  	s21 =	sand.u32 $0x1, s1  }
0x14: {  	p0 =	seq.s32 s21, $0x1  }
0x15: {  	s21 =	simm.s32 @p0 $0x2  }
0x16: {  	_ =	swait.ge @p0 [sflag:s21], $0x8000  }
0x17: {  	[sflag:s21] =	ssyncset.done @p0 $0x0  }
0x18: {  	s22 =	simm.s32 @p0 $0x9248;
	[sflag:s21] =	ssyncadd.s32 @p0 $0xFFFF8000;
	s21 =	simm.s32 @p0 $0x0  }
0x19: {  	[hbm4b:s12+s21] =	stream.linear.scatter @p0 [tilespmem:s22], [sflag:$0x3], $0x8000, $0x38;
	[tilespmem:$0x11248] =	vst v63  }
0x1a: {  	s23 =	simm.s32 @!p0 $0x1;
	s22 =	simm.s32 @p0 $0x1248  }
0x1b: {  	[tilespmem:s22], [sflag:$0x1] =	stream.linear.gather @p0 [hbm4b:s11+s21], $0x8000, $0x38;
	[tilespmem:$0x11248] =	vst v63  }
0x1c: {  	_ =	swait.ge @!p0 [sflag:s23], $0x8000  }
0x1d: {  	[sflag:s23] =	ssyncset.done @!p0 $0x0  }
0x1e: {  	s21 =	simm.s32 @!p0 $0x0;
	s22 =	simm.s32 @!p0 $0x1248;
	[sflag:s23] =	ssyncadd.s32 @!p0 $0xFFFF8000  }
0x1f: {  	[hbm4b:s12+s21] =	stream.linear.scatter @!p0 [tilespmem:s22], [sflag:$0x3], $0x8000, $0x38;
	[tilespmem:$0x11248] =	vst v63  }
0x20: {  	s31 =	simm.s32 $0x1;
	s23 =	simm.s32 @!p0 $0x9248  }
0x21: {  	[tilespmem:s23], [sflag:$0x2] =	stream.linear.gather @!p0 [hbm4b:s11+s21], $0x8000, $0x38;
	[tilespmem:$0x11248] =	vst v63  }
0x22: {  	s24 =	sand.u32 $0x1, s31;
	s22 =	sadd.s32 $0x1000, s11;
	_ =	swait.ge [sflag:s14], $0x8000  }
0x23: {  	s23 =	simm.s32 $0x2;
	s21 =	sadd.s32 $0x1000, s12;
	[sflag:s14] =	ssyncset.done $0x0  }
.LBB2_2:
0x24: {  	p1 =	seq.s32 s24, $0x1  }
0x25: {  	[sflag:s14] =	ssyncadd.s32 $0xFFFF8000;
	s24 =	smov.u32 s23;
	s23 =	sadd.s32 $0x1, s23  }
0x26: {  	p0 =	sne.s32 s23, $0x3F;
	s25 =	simm.s32 @p1 $0x2  }
0x27: {  	_ =	swait.ge @p1 [sflag:s25], $0x8000  }
0x28: {  	[sflag:s25] =	ssyncset.done @p1 $0x0  }
0x29: {  	s26 =	simm.s32 @p1 $0x9248;
	[sflag:s25] =	ssyncadd.s32 @p1 $0xFFFF8000;
	s25 =	simm.s32 @p1 $0x0  }
0x2a: {  	[hbm4b:s21+s25] =	stream.linear.scatter @p1 [tilespmem:s26], [sflag:$0x3], $0x8000, $0x38;
	[tilespmem:$0x11248] =	vst v63  }
0x2b: {  	s28 =	simm.s32 @!p1 $0x1;
	s26 =	simm.s32 @p1 $0x1248  }
0x2c: {  	[tilespmem:s26], [sflag:$0x1] =	stream.linear.gather @p1 [hbm4b:s22+s25], $0x8000, $0x38;
	[tilespmem:$0x11248] =	vst v63  }
0x2d: {  	_ =	swait.ge @!p1 [sflag:s28], $0x8000  }
0x2e: {  	[sflag:s28] =	ssyncset.done @!p1 $0x0  }
0x2f: {  	s25 =	simm.s32 @!p1 $0x0;
	s26 =	simm.s32 @!p1 $0x1248;
	[sflag:s28] =	ssyncadd.s32 @!p1 $0xFFFF8000  }
0x30: {  	[hbm4b:s21+s25] =	stream.linear.scatter @!p1 [tilespmem:s26], [sflag:$0x3], $0x8000, $0x38;
	[tilespmem:$0x11248] =	vst v63  }
.Ltmp0:
0x31: {  	_ = 	snop;
	(pc) =	sbr.rel @p0 .LBB2_2-.Ltmp0, $4  }
0x32: {  	s26 =	simm.s32 @!p1 $0x9248  }
0x33: {  	[tilespmem:s26], [sflag:$0x2] =	stream.linear.gather @!p1 [hbm4b:s22+s25], $0x8000, $0x38;
	[tilespmem:$0x11248] =	vst v63  }
0x34: {  	s21 =	sadd.s32 $0x1000, s21;
	_ =	swait.ge [sflag:s14], $0x8000  }
0x35: {  	s24 =	sand.u32 $0x1, s24;
	s22 =	sadd.s32 $0x1000, s22;
	[sflag:s14] =	ssyncset.done $0x0  }
0x36: {  	p0 =	seq.s32 s24, $0x1  }
0x37: {  	[sflag:s14] =	ssyncadd.s32 $0xFFFF8000;
	s23 =	simm.s32 @p0 $0x2  }
0x38: {  	_ =	swait.ge @p0 [sflag:s23], $0x8000  }
0x39: {  	[sflag:s23] =	ssyncset.done @p0 $0x0  }
0x3a: {  	s24 =	simm.s32 @p0 $0x9248;
	[sflag:s23] =	ssyncadd.s32 @p0 $0xFFFF8000;
	s23 =	simm.s32 @p0 $0x0  }
0x3b: {  	[hbm4b:s21+s23] =	stream.linear.scatter @p0 [tilespmem:s24], [sflag:$0x3], $0x8000, $0x38;
	[tilespmem:$0x11248] =	vst v63  }
0x3c: {  	s25 =	simm.s32 @!p0 $0x1;
	s24 =	simm.s32 @p0 $0x1248  }
0x3d: {  	[tilespmem:s24], [sflag:$0x1] =	stream.linear.gather @p0 [hbm4b:s22+s23], $0x8000, $0x38;
	[tilespmem:$0x11248] =	vst v63  }
0x3e: {  	_ =	swait.ge @!p0 [sflag:s25], $0x8000  }
0x3f: {  	[sflag:s25] =	ssyncset.done @!p0 $0x0  }
0x40: {  	s23 =	simm.s32 @!p0 $0x0;
	s24 =	simm.s32 @!p0 $0x1248;
	[sflag:s25] =	ssyncadd.s32 @!p0 $0xFFFF8000  }
0x41: {  	[hbm4b:s21+s23] =	stream.linear.scatter @!p0 [tilespmem:s24], [sflag:$0x3], $0x8000, $0x38;
	[tilespmem:$0x11248] =	vst v63  }
0x42: {  	s21 =	simm.s32 @!p0 $0x9248  }
0x43: {  	[tilespmem:s21], [sflag:$0x2] =	stream.linear.gather @!p0 [hbm4b:s22+s23], $0x8000, $0x38;
	[tilespmem:$0x11248] =	vst v63  }
0x44: {  	_ =	swait.ge [sflag:s14], $0x8000  }
0x45: {  	[sflag:s14] =	ssyncset.done $0x0  }
0x46: {  	[sflag:s14] =	ssyncadd.s32 $0xFFFF8000  }
0x47: {  	_ =	swait.ge [sflag:s15], $0x8000  }
0x48: {  	[sflag:s15] =	ssyncset.done $0x0  }
0x49: {  	[sflag:s15] =	ssyncadd.s32 $0xFFFF8000  }
0x4a: {  	[hbm4b:s10+s1] =	stream.linear.scatter [tilespmem:s16], [sflag:$0x3], $0x8000, $0x38;
	[tilespmem:$0x11248] =	vst v63  }
0x4b: {  	_ =	swait.ge [sflag:s14], $0x8000  }
0x4c: {  	[sflag:s14] =	ssyncset.done $0x0  }
0x4d: {  	[sflag:s14] =	ssyncadd.s32 $0xFFFF8000  }
0x4e: {  	[tilespmem:s1], [sflag:$0x5] =	stream.linear.gather [hbm4b:s5+s1], $0x48, $0x38;
	[tilespmem:$0x11248] =	vst v63  }
0x4f: {  	_ =	swait.ge [sflag:s17], $0x48  }
0x50: {  	[sflag:s17] =	ssyncset.done $0x0  }
0x51: {  	[sflag:s17] =	ssyncadd.s32 $0xFFFFFFB8  }
0x52: {  	[tilespmem:s18], [sflag:$0x5] =	stream.linear.gather [hbm4b:s6+s1], $0x1200, $0x38;
	[tilespmem:$0x11248] =	vst v63  }
0x53: {  	_ =	swait.ge [sflag:s17], $0x1200  }
0x54: {  	[sflag:s17] =	ssyncset.done $0x0  }
0x55: {  	[sflag:s17] =	ssyncadd.s32 $0xFFFFEE00  }
0x56: {  	[hbm4b:s3+s18] =	stream.indirect.scatter [tilespmem:s18], [sflag:$0x4], $0x40, s1, s18, $0xb8;
	[tilespmem:$0x11248] =	vst v63  }
0x57: {  	_ =	swait.ge [sflag:s19], $0x1200  }
0x58: {  	[sflag:s19] =	ssyncset.done $0x0  }
0x59: {  	[sflag:s19] =	ssyncadd.s32 $0xFFFFEE00  }
0x5a: {  	[tilespmem:s1], [sflag:$0x5] =	stream.linear.gather [hbm4b:s7+s1], $0x48, $0x38;
	[tilespmem:$0x11248] =	vst v63  }
0x5b: {  	_ =	swait.ge [sflag:s17], $0x48  }
0x5c: {  	[sflag:s17] =	ssyncset.done $0x0  }
0x5d: {  	[sflag:s17] =	ssyncadd.s32 $0xFFFFFFB8  }
0x5e: {  	[tilespmem:s18], [sflag:$0x5] =	stream.linear.gather [hbm4b:s8+s1], $0x1200, $0x38;
	[tilespmem:$0x11248] =	vst v63  }
0x5f: {  	s20 =	sadd.s32 $0x1, s20;
	_ =	swait.ge [sflag:s17], $0x1200  }
0x60: {  	p0 =	sne.s32 s20, s9;
	[sflag:s17] =	ssyncset.done $0x0  }
.Ltmp1:
0x61: {  	[sflag:s17] =	ssyncadd.s32 $0xFFFFEE00;
	(pc) =	sbr.rel @p0 .LBB2_1-.Ltmp1, $4  }
0x62: {  	[hbm4b:s3+s18] =	stream.indirect.scatter [tilespmem:s18], [sflag:$0x4], $0x40, s1, s18, $0xb8;
	[tilespmem:$0x11248] =	vst v63  }
0x63: {  	_ =	swait.ge [sflag:s19], $0x1200  }
0x64: {  	[sflag:s19] =	ssyncset.done $0x0  }
0x65: {  	[sflag:s19] =	ssyncadd.s32 $0xFFFFEE00  }
0x66: {  	_ =	sfence.sel $0x180000  }
0x67: {  	[bflag:$0x0] =	sbarrier.arrive $0xFFFF  }
0x68: {  	p0 =	sne.s32 s2, $0x0;
	_ =	strace $0x9000004A  }
0x69: {  	s0 =	sadd.s32 @!p0 $0x100000, s0;
	[bflag:$0x2] =	sbarrier.arrive $0xFFFF  }
0x6a: {  	[sflag:s0] =	ssyncadd.tile.s32 @!p0 $0x1;
	_ =	shalt  }
.Lfunc_end2:
_tile_overlayer_lowered:
.L_overlay_start_2:
0x6b: {  	(tag) =	ssettag $0x2  }
0x6c: {  	s0 =	rddreg [dreg:$0x0];
	s2 =	stileid.u32  }
0x6d: {  	s1 =	rddreg [dreg:$0x1];
	p0 =	sne.s32 s2, $0x0  }
0x6e: {  	s3 =	rddreg [dreg:$0x2];
	[bflag:$0x3] =	sbarrier.arrive $0xFFFF;
	s2 =	simm.s32 @!p0 $0x1C05  }
0x6f: {  	[timem:s3], [sflag:s2] =	dma.local @!p0 [hbm:s0], s1  }
0x70: {  	s0 =	simm.s32 @!p0 $0x5  }
0x71: {  	_ =	swait.ge @!p0 [sflag:s0], s1  }
0x72: {  	s1 =	ssub.s32 @!p0 $0x0, s1;
	[sflag:s0] =	ssyncset.done @!p0 $0x0  }
0x73: {  	[sflag:s0] =	ssyncadd.s32 @!p0 s1  }
0x74: {  	[bflag:$0x3] =	sbarrier.arrive $0xFFFF  }
0x75: {  	_ =	shalt  }

// kernel: kernel.7.cloned.1.call-start
scs
__scs_entry_jumppad:
0x0: {  	(pc) =	sbr.rel $0x88, $3  }
0x1: {  	(tag) =	ssettag $0x0;
	lr =	simm.s32 $0x1  }
0x2: {  	[smem:$0x3F9D] =	sst lr;
	_ =	strace $0xD0000000  }
0x3: {  	_ = 	snop  }
0x4: {  	_ = 	snop  }
0x5: {  	_ = 	snop  }
0x6: {  	_ = 	snop  }
0x7: {  	_ = 	snop  }
__scs_overlays_trampoline_lowered:
0x8: {  	[smem:$0x3FAC] =	sst s0  }
0x9: {  	[smem:$0x3FAD] =	sst s1  }
0xa: {  	[smem:$0x3FAE] =	sst s2  }
0xb: {  	[smem:$0x3FAF] =	sst s3  }
0xc: {  	[smem:$0x3FB0] =	sst s4  }
0xd: {  	[smem:$0x3FB1] =	sst s5  }
0xe: {  	[smem:$0x3FB2] =	sst s6  }
0xf: {  	[smem:$0x3FB3] =	sst s7  }
0x10: {  	[smem:$0x3FB4] =	sst s8  }
0x11: {  	[smem:$0x3FB5] =	sst s9;
	s0 =	simm.s32 @!p0 $0x0  }
0x12: {  	s1 =	sld [smem:$0x3F9B];
	s0 =	simm.s32 @p0 $0x1  }
0x13: {  	[smem:$0x3FB6] =	sst s0;
	s0 =	simm.s32 @!p1 $0x0  }
0x14: {  	s2 =	sld [smem:$0x3F9A];
	s0 =	simm.s32 @p1 $0x1  }
0x15: {  	[smem:$0x3FB7] =	sst s0;
	s0 =	simm.s32 @!p2 $0x0  }
0x16: {  	s3 =	sld [smem:$0x3FDB];
	s0 =	simm.s32 @p2 $0x1  }
0x17: {  	s4 =	simm.s32 $0x1BF5;
	[smem:$0x3FB9] =	sst s0  }
0x18: {  	s0 =	sld [smem:$0x3F9C];
	_ =	swait.ge [sflag:s4], $0x0  }
0x19: {  	s7 =	sld [smem:$0x3F9D]  }
0x1a: {  	s8 =	sadd.s32 $0xFFFFE003, lr  }
0x1b: {  	s9 =	sadd.s32 $0xFFFFFEF7, lr;
	s5 =	simm.s32 $0xFFFFFFFF;
	p2 =	slt.u32 s8, $0xFFFFF086  }
0x1c: {  	p1 =	slt.u32 s9, $0xF7A;
	s5 =	simm.s32 @!p2 $0x0  }
0x1d: {  	s5 =	simm.s32 @p1 $0x1;
	p0 =	seq.s32 s7, s2  }
0x1e: {  	s7 =	smul.u32 @!p0 $0xF7A, s2;
	p2 =	seq.s32 @!p0 s5, $0x0  }
0x1f: {  	s9 =	smul.u32 $0xF7A, s1;
	s8 =	simm.s32 @!p0 $0x1BF5;
	p2 =	por !p2, p0  }
0x20: {  	[sflag:s8] =	ssyncset.s32 @!p0 $0xFFFFF086;
	s6 =	sadd.s32 @!p0 s3, s7;
	s7 =	simm.s32 @!p0 $0x108  }
0x21: {  	s3 =	sadd.s32 s3, s9;
	s6 =	sadd.s32 @!p0 $0x88, s6;
	s7 =	simm.s32 @p2 $0x1082  }
0x22: {  	[simem:s7], [sflag:s8] =	dma.local @!p0 [hbm:s6], $0xF7A  }
0x23: {  	s9 =	sor.u32 $0xD0000000, s2;
	s6 =	simm.s32 $0x108;
	_ =	swait.ge @!p0 [sflag:s8], $0x0  }
0x24: {  	s3 =	sadd.s32 $0x88, s3;
	s6 =	simm.s32 @!p1 $0x1082;
	[sflag:s4] =	ssyncset.s32 $0xFFFFF086  }
0x25: {  	[simem:s6], [sflag:s4] =	dma.local [hbm:s3], $0xF7A  }
0x26: {  	[smem:$0x3F9D] =	sst s1;
	(tag) =	ssettag s2;
	_ =	strace s9  }
0x27: {  	s1 =	sld [smem:$0x3FAD]  }
0x28: {  	s2 =	sld [smem:$0x3FAE]  }
0x29: {  	s4 =	sld [smem:$0x3FB0]  }
0x2a: {  	p0 =	seq.s32 s5, $0x0;
	s5 =	sld [smem:$0x3FB1]  }
0x2b: {  	s6 =	sld [smem:$0x3FB2]  }
0x2c: {  	s7 =	sld [smem:$0x3FB3]  }
0x2d: {  	s3 =	simm.s32 $0x108;
	s8 =	sld [smem:$0x3FB4]  }
0x2e: {  	s3 =	simm.s32 @!p0 $0x1082;
	s9 =	sld [smem:$0x3FB5]  }
0x2f: {  	lr =	sadd.s32 s0, s3;
	s0 =	sld [smem:$0x3FAC]  }
0x30: {  	s3 =	sld [smem:$0x3FAF]  }
0x31: {  	[smem:$0x3FB8] =	sst s10  }
0x32: {  	s10 =	sld [smem:$0x3FB6];
	_ =	sdelay $0x3  }
0x33: {  	p0 =	seq.s32 s10, $0x1;
	s10 =	sld [smem:$0x3FB8];
	_ =	sdelay $0x3  }
0x34: {  	[smem:$0x3FB8] =	sst s10  }
0x35: {  	s10 =	sld [smem:$0x3FB7];
	_ =	sdelay $0x3  }
0x36: {  	p1 =	seq.s32 s10, $0x1;
	s10 =	sld [smem:$0x3FB8];
	_ =	sdelay $0x3  }
0x37: {  	[smem:$0x3FB8] =	sst s10  }
0x38: {  	s10 =	sld [smem:$0x3FB9]  }
0x39: {  	_ = 	snop;
	(pc) =	sbr.ind lr, $3  }
0x3a: {  	_ = 	snop  }
0x3b: {  	_ = 	snop  }
0x3c: {  	p2 =	seq.s32 s10, $0x1;
	s10 =	sld [smem:$0x3FB8]  }
0x3d: {  	_ =	shalt  }
0x3e: {  	_ =	shalt  }
0x3f: {  	_ =	shalt  }
0x40: {  	_ =	shalt  }
0x41: {  	_ =	shalt  }
0x42: {  	_ =	shalt  }
0x43: {  	_ =	shalt  }
0x44: {  	_ =	shalt  }
0x45: {  	_ =	shalt  }
0x46: {  	_ =	shalt  }
0x47: {  	_ =	shalt  }
0x48: {  	_ =	shalt  }
0x49: {  	_ =	shalt  }
0x4a: {  	_ =	shalt  }
0x4b: {  	_ =	shalt  }
0x4c: {  	_ =	shalt  }
0x4d: {  	_ =	shalt  }
0x4e: {  	_ =	shalt  }
0x4f: {  	_ =	shalt  }
0x50: {  	_ =	shalt  }
0x51: {  	_ =	shalt  }
0x52: {  	_ =	shalt  }
0x53: {  	_ =	shalt  }
0x54: {  	_ =	shalt  }
0x55: {  	_ =	shalt  }
0x56: {  	_ =	shalt  }
0x57: {  	_ =	shalt  }
0x58: {  	_ =	shalt  }
0x59: {  	_ =	shalt  }
0x5a: {  	_ =	shalt  }
0x5b: {  	_ =	shalt  }
0x5c: {  	_ =	shalt  }
0x5d: {  	_ =	shalt  }
0x5e: {  	_ =	shalt  }
0x5f: {  	_ =	shalt  }
0x60: {  	_ =	shalt  }
0x61: {  	_ =	shalt  }
0x62: {  	_ =	shalt  }
0x63: {  	_ =	shalt  }
0x64: {  	_ =	shalt  }
0x65: {  	_ =	shalt  }
0x66: {  	_ =	shalt  }
0x67: {  	_ =	shalt  }
0x68: {  	_ =	shalt  }
0x69: {  	_ =	shalt  }
0x6a: {  	_ =	shalt  }
0x6b: {  	_ =	shalt  }
0x6c: {  	_ =	shalt  }
0x6d: {  	_ =	shalt  }
0x6e: {  	_ =	shalt  }
0x6f: {  	_ =	shalt  }
0x70: {  	_ =	shalt  }
0x71: {  	_ =	shalt  }
0x72: {  	_ =	shalt  }
0x73: {  	_ =	shalt  }
0x74: {  	_ =	shalt  }
0x75: {  	_ =	shalt  }
0x76: {  	_ =	shalt  }
0x77: {  	_ =	shalt  }
0x78: {  	_ =	shalt  }
0x79: {  	_ =	shalt  }
0x7a: {  	_ =	shalt  }
0x7b: {  	_ =	shalt  }
0x7c: {  	_ =	shalt  }
0x7d: {  	_ =	shalt  }
0x7e: {  	_ =	shalt  }
0x7f: {  	_ =	shalt  }
0x80: {  	_ =	shalt  }
0x81: {  	_ =	shalt  }
0x82: {  	_ =	shalt  }
0x83: {  	_ =	shalt  }
0x84: {  	_ =	shalt  }
0x85: {  	_ =	shalt  }
0x86: {  	_ =	shalt  }
0x87: {  	_ =	shalt  }
.Lfunc_end0:
.L_simem_size_0:
called_computation.1_lowered:
.L_overlay_start_0:
0x88: {  	s2 =	sld [smem:$0x3FD9]  }
0x89: {  	s3 =	sld [smem:$0x3FFE];
	_ =	sdelay $0x1  }
0x8a: {  	s1 =	srdreg.scid  }
0x8b: {  	s0 =	sand.u32 $0x1, s1  }
0x8c: {  	s14 =	sshll.u32 s0, $0xA;
	s2 =	sadd.s32 s3, s2  }
0x8d: {  	s2 =	sadd.s32 s2, s14  }
0x8e: {  	[smem:$0x3FC4] =	sst s2  }
0x8f: {  	_ = 	snop  }
0x90: {  	s2 =	sld [smem:$0x3FD0];
	_ =	sdelay $0x2  }
0x91: {  	s15 =	simm.s32 $0xA;
	s4 =	simm.s32 $0x10  }
0x92: {  	[smem:s4], [sflag:s15] =	dma.local [hbm:s2], $0x1  }
0x93: {  	_ =	swait.eq [sflag:s15], $0x1  }
0x94: {  	[sflag:s15] =	ssyncset.done $0x0  }
0x95: {  	[sflag:s15] =	ssyncadd.s32 $0xFFFFFFFF  }
0x96: {  	s16 =	sld [smem:$0x11];
	(tm) =	ssettm $0x1  }
0x97: {  	s17 =	sld [smem:$0x3FFB];
	_ =	sdelay $0x3  }
0x98: {  	_ =	strace s17  }
0x99: {  	s3 =	sld [smem:$0x3FFC];
	_ =	sdelay $0x3  }
0x9a: {  	_ =	strace s3  }
0x9b: {  	s3 =	sld [smem:$0x3FFD];
	_ =	sdelay $0x3  }
0x9c: {  	_ =	strace s3  }
0x9d: {  	_ =	strace $0x8FFFFFFF  }
0x9e: {  	s18 =	sld [smem:$0x3FDB];
	_ =	sdelay $0x1  }
0x9f: {  	s19 =	simm.s32 $_scs_section_size  }
0xa0: {  	s5 =	simm.s32 $_size__tile_overlayer_lowered;
	s6 =	simm.s32 $_tile_overlayer_lowered  }
0xa1: {  	s22 =	simm.s32 $0x1BFF;
	s21 =	sshll.u32 s6, $0x1;
	s3 =	sadd.s32 s19, s18  }
0xa2: {  	s7 =	simm.s32 $0x0;
	s20 =	sshll.u32 s5, $0x1;
	s5 =	sadd.s32 s21, s3  }
0xa3: {  	[timem:s7], [sflag:s22] =	dma.local [hbm:s5], s20  }
0xa4: {  	_ =	swait.ge [sflag:s22], s20  }
0xa5: {  	s4 =	ssub.s32 $0x0, s20;
	[sflag:s22] =	ssyncset.done $0x0  }
0xa6: {  	[sflag:s22] =	ssyncadd.s32 s4;
	_ =	sdelay $0x1  }
0xa7: {  	s23 =	simm.s32 $0x1B8B  }
0xa8: {  	_ =	swait.ge [sflag:s23], $0x1  }
0xa9: {  	[sflag:s23] =	ssyncset.done $0x0  }
0xaa: {  	s25 =	simm.s32 $0x1B8E;
	s24 =	sld [smem:$0x3FFE];
	[sflag:s23] =	ssyncadd.s32 $0xFFFFFFFF  }
0xab: {  	s26 =	simm.s32 $execute0_lowered;
	[smem:$0x3FD2] =	sst s25  }
0xac: {  	s5 =	sshll.u32 s26, $0x1;
	_ =	strace $0x80000046;
	[dreg:$0x1] =	wrdreg $0xFFFFFFFF  }
0xad: {  	s28 =	simm.s32 $_size_execute0_lowered;
	s3 =	sadd.s32 s3, s5;
	[dreg:$0x0] =	wrdreg $0x0  }
0xae: {  	s5 =	sshll.u32 s28, $0x1;
	[dreg:$0x2] =	wrdreg s3  }
0xaf: {  	[dreg:$0x3] =	wrdreg s5  }
0xb0: {  	[dreg:$0x4] =	wrdreg $0xC0  }
0xb1: {  	_ =	task [dreg:s7], $0x5FFFF  }
0xb2: {  	[dreg:$0x1] =	wrdreg $0xFFFFFFFF  }
0xb3: {  	[dreg:$0x0] =	wrdreg $0x60  }
0xb4: {  	[dreg:$0x2] =	wrdreg s24  }
0xb5: {  	[dreg:$0x3] =	wrdreg s16  }
0xb6: {  	[dreg:$0x4] =	wrdreg $0x9  }
0xb7: {  	_ =	task.clear_ibuf [dreg:s7], $0x5FFFF;
	_ =	strace $0x90000046  }
0xb8: {  	s29 =	simm.s32 $0x9;
	_ =	strace $0x80000048  }
0xb9: {  	_ =	swait.ge [sflag:s29], $0x1  }
0xba: {  	[sflag:s29] =	ssyncadd.s32 $0xFFFFFFFF  }
0xbb: {  	_ =	strace $0x90000048  }
0xbc: {  	_ =	sfence  }
0xbd: {  	s30 =	sld [smem:$0x0];
	_ =	sdelay $0x2  }
0xbe: {  	s31 =	sshll.u32 s1, $0xD;
	s1 =	sshrl.u32 s1, $0x2  }
0xbf: {  	s3 =	sand.u32 $0x4000, s31;
	s1 =	sadd.s32 s1, s30  }
0xc0: {  	s0 =	sor.u32 s3, s0;
	s1 =	sshll.u32 s1, $0x11  }
0xc1: {  	s0 =	sor.u32 s1, s0  }
0xc2: {  	s0 =	sadd.s32 $0x8F2B, s0  }
0xc3: {  	[sflag:s0] =	ssyncadd.remote.s32 $0x1  }
0xc4: {  	_ =	sfence.sel $0xFFFF  }
0xc5: {  	[dreg:$0x0] =	wrdreg $0xFFFFFFFF;
	(pc) =	sbr.abs _section_cstart, $3  }
0xc6: {  	[dreg:$0x1] =	wrdreg $0xFFFFFFFF  }
0xc7: {  	_ =	task.clear_ibuf [dreg:s7], $0x2FFFF;
	_ =	strace $0x9FFFFFFF  }
0xc8: {  	(tm) =	ssettm $0x7FFFFFFF  }
0xc9: {  	_ =	shalt  }
tec
execute0_lowered:
.L_overlay_start_1:
0x0: {  	(tag) =	ssettag $0x1  }
0x1: {  	s1 =	srdreg.scid  }
0x2: {  	s0 =	stileid.u32;
	s10 =	sand.u32 $0x1, s1  }
0x3: {  	s8 =	rddreg [dreg:$0x0];
	s29 =	sshll.u32 s0, $0x2;
	s3 =	sshll.u32 s10, $0x1  }
0x4: {  	s2 =	rddreg [dreg:$0x1];
	s9 =	sor.u32 s3, s29  }
0x5: {  	s1 =	rddreg [dreg:$0x2];
	s3 =	simm.s32 $0x0;
	s4 =	smul.u32 $0x9, s9  }
0x6: {  	s11 =	sadd.s32 $0x1004A00, s8;
	[smem:$0x7FF] =	sst s3  }
0x7: {  	_ =	strace $0x80000047;
	s5 =	sadd.s32 s11, s4;
	s4 =	simm.s32 $0x2  }
0x8: {  	[tilespmem:s3], [sflag:$0x2] =	stream.linear.gather [hbm4b:s5+s3], $0x48, $0x38;
	[tilespmem:$0x1248] =	vst v63  }
0x9: {  	_ =	swait.ge [sflag:s4], $0x48  }
0xa: {  	[sflag:s4] =	ssyncset.done $0x0  }
0xb: {  	s6 =	simm.s32 $0x48;
	s7 =	simm.s32 $0x1;
	[sflag:s4] =	ssyncadd.s32 $0xFFFFFFB8  }
0xc: {  	[tilespmem:s6], [sflag:$0x1] =	stream.indirect.gather [hbm4b:s2+s6], $0x40, s3, s6, $0xb8;
	[tilespmem:$0x1248] =	vst v63  }
0xd: {  	s12 =	smul.u32 $0x240, s9;
	_ =	swait.ge [sflag:s7], $0x1200  }
0xe: {  	s13 =	sadd.s32 $0x4A00, s8;
	[sflag:s7] =	ssyncset.done $0x0  }
0xf: {  	s30 =	sor.u32 $0x1, s9;
	s8 =	sadd.s32 s13, s12;
	[sflag:s7] =	ssyncadd.s32 $0xFFFFEE00  }
0x10: {  	[hbm4b:s8+s3] =	stream.linear.scatter [tilespmem:s6], [sflag:$0x2], $0x1200, $0x38;
	[tilespmem:$0x1248] =	vst v63  }
0x11: {  	s9 =	smul.u32 $0x9, s30;
	_ =	swait.ge [sflag:s4], $0x1200  }
0x12: {  	[sflag:s4] =	ssyncset.done $0x0  }
0x13: {  	s10 =	ssub.s32 $0x2, s10;
	s9 =	sadd.s32 s11, s9;
	[sflag:s4] =	ssyncadd.s32 $0xFFFFEE00  }
0x14: {  	[tilespmem:s3], [sflag:$0x2] =	stream.linear.gather [hbm4b:s9+s3], $0x48, $0x38;
	[tilespmem:$0x1248] =	vst v63  }
0x15: {  	s31 =	sshrl.u32 s10, $0x1;
	_ =	swait.ge [sflag:s4], $0x48  }
0x16: {  	s11 =	ssub.s32 s10, s31;
	[sflag:s4] =	ssyncset.done $0x0  }
0x17: {  	s11 =	smax.u32 s11, $0x1;
	[sflag:s4] =	ssyncadd.s32 $0xFFFFFFB8  }
0x18: {  	[tilespmem:s6], [sflag:$0x1] =	stream.indirect.gather [hbm4b:s2+s6], $0x40, s3, s6, $0xb8;
	[tilespmem:$0x1248] =	vst v63  }
0x19: {  	s12 =	smul.u32 $0x240, s30;
	p0 =	sne.s32 s11, $0x1;
	_ =	swait.ge [sflag:s7], $0x1200  }
.Ltmp0:
0x1a: {  	[sflag:s7] =	ssyncset.done $0x0;
	(pc) =	sbr.rel @!p0 .LBB2_2-.Ltmp0, $4  }
0x1b: {  	s10 =	sadd.s32 s13, s12;
	[sflag:s7] =	ssyncadd.s32 $0xFFFFEE00  }
0x1c: {  	[hbm4b:s10+s3] =	stream.linear.scatter [tilespmem:s6], [sflag:$0x2], $0x1200, $0x38;
	[tilespmem:$0x1248] =	vst v63  }
0x1d: {  	_ =	swait.ge [sflag:s4], $0x1200  }
0x1e: {  	s11 =	sadd.s32 $0xFFFFFFFF, s11;
	[sflag:s4] =	ssyncset.done $0x0  }
.LBB2_1:
0x1f: {  	p0 =	sne.s32 s11, $0x1;
	s11 =	sadd.s32 $0xFFFFFFFF, s11;
	[sflag:s4] =	ssyncadd.s32 $0xFFFFEE00  }
0x20: {  	[tilespmem:s3], [sflag:$0x2] =	stream.linear.gather [hbm4b:s5+s3], $0x48, $0x38;
	[tilespmem:$0x1248] =	vst v63  }
0x21: {  	_ =	swait.ge [sflag:s4], $0x48  }
0x22: {  	[sflag:s4] =	ssyncset.done $0x0  }
0x23: {  	[sflag:s4] =	ssyncadd.s32 $0xFFFFFFB8  }
0x24: {  	[tilespmem:s6], [sflag:$0x1] =	stream.indirect.gather [hbm4b:s2+s6], $0x40, s3, s6, $0xb8;
	[tilespmem:$0x1248] =	vst v63  }
0x25: {  	_ =	swait.ge [sflag:s7], $0x1200  }
0x26: {  	[sflag:s7] =	ssyncset.done $0x0  }
0x27: {  	[sflag:s7] =	ssyncadd.s32 $0xFFFFEE00  }
0x28: {  	[hbm4b:s8+s3] =	stream.linear.scatter [tilespmem:s6], [sflag:$0x2], $0x1200, $0x38;
	[tilespmem:$0x1248] =	vst v63  }
0x29: {  	_ =	swait.ge [sflag:s4], $0x1200  }
0x2a: {  	[sflag:s4] =	ssyncset.done $0x0  }
0x2b: {  	[sflag:s4] =	ssyncadd.s32 $0xFFFFEE00  }
0x2c: {  	[tilespmem:s3], [sflag:$0x2] =	stream.linear.gather [hbm4b:s9+s3], $0x48, $0x38;
	[tilespmem:$0x1248] =	vst v63  }
0x2d: {  	_ =	swait.ge [sflag:s4], $0x48  }
0x2e: {  	[sflag:s4] =	ssyncset.done $0x0  }
0x2f: {  	[sflag:s4] =	ssyncadd.s32 $0xFFFFFFB8  }
0x30: {  	[tilespmem:s6], [sflag:$0x1] =	stream.indirect.gather [hbm4b:s2+s6], $0x40, s3, s6, $0xb8;
	[tilespmem:$0x1248] =	vst v63  }
0x31: {  	_ =	swait.ge [sflag:s7], $0x1200  }
.Ltmp1:
0x32: {  	[sflag:s7] =	ssyncset.done $0x0;
	(pc) =	sbr.rel @p0 .LBB2_1-.Ltmp1, $4  }
0x33: {  	[sflag:s7] =	ssyncadd.s32 $0xFFFFEE00  }
0x34: {  	[hbm4b:s10+s3] =	stream.linear.scatter [tilespmem:s6], [sflag:$0x2], $0x1200, $0x38;
	[tilespmem:$0x1248] =	vst v63  }
0x35: {  	_ =	swait.ge [sflag:s4], $0x1200  }
0x36: {  	[sflag:s4] =	ssyncset.done $0x0  }
.LBB2_2:
0x37: {  	[sflag:s4] =	ssyncadd.s32 $0xFFFFEE00  }
0x38: {  	_ =	sfence.sel $0x180000  }
0x39: {  	[bflag:$0x0] =	sbarrier.arrive $0xFFFF  }
0x3a: {  	p0 =	sne.s32 s0, $0x0;
	_ =	strace $0x90000047  }
0x3b: {  	s0 =	sadd.s32 @!p0 $0x100000, s1;
	[bflag:$0x2] =	sbarrier.arrive $0xFFFF  }
0x3c: {  	[sflag:s0] =	ssyncadd.tile.s32 @!p0 $0x1;
	_ =	shalt  }
.Lfunc_end2:
_tile_overlayer_lowered:
.L_overlay_start_2:
0x3d: {  	(tag) =	ssettag $0x2  }
0x3e: {  	s0 =	rddreg [dreg:$0x0];
	s2 =	stileid.u32  }
0x3f: {  	s1 =	rddreg [dreg:$0x1];
	p0 =	sne.s32 s2, $0x0  }
0x40: {  	s3 =	rddreg [dreg:$0x2];
	[bflag:$0x3] =	sbarrier.arrive $0xFFFF;
	s2 =	simm.s32 @!p0 $0x1C02  }
0x41: {  	[timem:s3], [sflag:s2] =	dma.local @!p0 [hbm:s0], s1  }
0x42: {  	s0 =	simm.s32 @!p0 $0x2  }
0x43: {  	_ =	swait.ge @!p0 [sflag:s0], s1  }
0x44: {  	s1 =	ssub.s32 @!p0 $0x0, s1;
	[sflag:s0] =	ssyncset.done @!p0 $0x0  }
0x45: {  	[sflag:s0] =	ssyncadd.s32 @!p0 s1  }
0x46: {  	[bflag:$0x3] =	sbarrier.arrive $0xFFFF  }
0x47: {  	_ =	shalt  }

// kernel: sparse-core-data-format-call.cloned.1.call-start
scs
called_computation_lowered:
.L_overlay_start_0:
0x0: {  	s2 =	sld [smem:$0x3FD9]  }
0x1: {  	s3 =	sld [smem:$0x3FFE];
	_ =	sdelay $0x1  }
0x2: {  	s1 =	srdreg.scid  }
0x3: {  	s0 =	sand.u32 $0x1, s1  }
0x4: {  	s15 =	sshll.u32 s0, $0xA;
	s2 =	sadd.s32 s3, s2  }
0x5: {  	s2 =	sadd.s32 s2, s15  }
0x6: {  	[smem:$0x3FC4] =	sst s2  }
0x7: {  	_ = 	snop  }
0x8: {  	s2 =	sld [smem:$0x3FD0];
	_ =	sdelay $0x2  }
0x9: {  	s16 =	simm.s32 $0xA;
	s4 =	simm.s32 $0x10  }
0xa: {  	[smem:s4], [sflag:s16] =	dma.local [hbm:s2], $0x1  }
0xb: {  	_ =	swait.eq [sflag:s16], $0x1  }
0xc: {  	[sflag:s16] =	ssyncset.done $0x0  }
0xd: {  	[sflag:s16] =	ssyncadd.s32 $0xFFFFFFFF  }
0xe: {  	s17 =	sld [smem:$0x11];
	(tm) =	ssettm $0x1  }
0xf: {  	s18 =	sld [smem:$0x3FFB];
	_ =	sdelay $0x3  }
0x10: {  	_ =	strace s18  }
0x11: {  	s3 =	sld [smem:$0x3FFC];
	_ =	sdelay $0x3  }
0x12: {  	_ =	strace s3  }
0x13: {  	s3 =	sld [smem:$0x3FFD];
	_ =	sdelay $0x3  }
0x14: {  	_ =	strace s3  }
0x15: {  	_ =	strace $0x8FFFFFFF  }
0x16: {  	s19 =	sld [smem:$0x3FDB];
	_ =	sdelay $0x1  }
0x17: {  	s20 =	simm.s32 $_scs_section_size  }
0x18: {  	s5 =	simm.s32 $_size__tile_overlayer_lowered;
	s6 =	simm.s32 $_tile_overlayer_lowered  }
0x19: {  	s23 =	simm.s32 $0x1BFF;
	s22 =	sshll.u32 s6, $0x1;
	s3 =	sadd.s32 s20, s19  }
0x1a: {  	s7 =	simm.s32 $0x0;
	s21 =	sshll.u32 s5, $0x1;
	s5 =	sadd.s32 s22, s3  }
0x1b: {  	[timem:s7], [sflag:s23] =	dma.local [hbm:s5], s21  }
0x1c: {  	_ =	swait.ge [sflag:s23], s21  }
0x1d: {  	s4 =	ssub.s32 $0x0, s21;
	[sflag:s23] =	ssyncset.done $0x0  }
0x1e: {  	[sflag:s23] =	ssyncadd.s32 s4;
	_ =	sdelay $0x1  }
0x1f: {  	s24 =	simm.s32 $0x1B8B  }
0x20: {  	_ =	swait.ge [sflag:s24], $0x1  }
0x21: {  	[sflag:s24] =	ssyncset.done $0x0  }
0x22: {  	s26 =	simm.s32 $0x1B8E;
	s25 =	sld [smem:$0x3FFE];
	[sflag:s24] =	ssyncadd.s32 $0xFFFFFFFF  }
0x23: {  	s27 =	simm.s32 $execute0_lowered;
	[smem:$0x3FD2] =	sst s26  }
0x24: {  	s5 =	sshll.u32 s27, $0x1;
	_ =	strace $0x8000004C;
	[dreg:$0x1] =	wrdreg $0xFFFFFFFF  }
0x25: {  	s28 =	simm.s32 $_size_execute0_lowered;
	s3 =	sadd.s32 s3, s5;
	[dreg:$0x0] =	wrdreg $0x0  }
0x26: {  	s5 =	sshll.u32 s28, $0x1;
	[dreg:$0x2] =	wrdreg s3  }
0x27: {  	[dreg:$0x3] =	wrdreg s5  }
0x28: {  	[dreg:$0x4] =	wrdreg $0xC0  }
0x29: {  	_ =	task [dreg:s7], $0x5FFFF  }
0x2a: {  	[dreg:$0x1] =	wrdreg $0xFFFFFFFF  }
0x2b: {  	[dreg:$0x0] =	wrdreg $0x60  }
0x2c: {  	[dreg:$0x2] =	wrdreg s25  }
0x2d: {  	[dreg:$0x3] =	wrdreg s17  }
0x2e: {  	[dreg:$0x4] =	wrdreg $0x9  }
0x2f: {  	_ =	task.clear_ibuf [dreg:s7], $0x5FFFF;
	_ =	strace $0x9000004C  }
0x30: {  	s29 =	simm.s32 $0x9;
	_ =	strace $0x8000004E  }
0x31: {  	_ =	swait.ge [sflag:s29], $0x1  }
0x32: {  	[sflag:s29] =	ssyncadd.s32 $0xFFFFFFFF  }
0x33: {  	_ =	strace $0x9000004E  }
0x34: {  	_ =	sfence  }
0x35: {  	s30 =	sld [smem:$0x0];
	_ =	sdelay $0x2  }
0x36: {  	s31 =	sshll.u32 s1, $0xD;
	s1 =	sshrl.u32 s1, $0x2  }
0x37: {  	s3 =	sand.u32 $0x4000, s31;
	s1 =	sadd.s32 s1, s30  }
0x38: {  	s0 =	sor.u32 s3, s0;
	s1 =	sshll.u32 s1, $0x11  }
0x39: {  	s0 =	sor.u32 s1, s0  }
0x3a: {  	s0 =	sadd.s32 $0x8F2B, s0  }
0x3b: {  	[sflag:s0] =	ssyncadd.remote.s32 $0x1  }
0x3c: {  	_ =	sfence.sel $0xFFFF  }
0x3d: {  	[dreg:$0x0] =	wrdreg $0xFFFFFFFF;
	(pc) =	sbr.abs _section_cstart, $3  }
0x3e: {  	[dreg:$0x1] =	wrdreg $0xFFFFFFFF  }
0x3f: {  	_ =	task.clear_ibuf [dreg:s7], $0x2FFFF;
	_ =	strace $0x9FFFFFFF  }
0x40: {  	(tm) =	ssettm $0x7FFFFFFF  }
0x41: {  	_ =	shalt  }
tec
execute0_lowered:
.L_overlay_start_1:
0x0: {  	(tag) =	ssettag $0x1  }
0x1: {  	s0 =	srdreg.scid  }
0x2: {  	s7 =	rddreg [dreg:$0x0];
	s1 =	sshll.u32 s0, $0x4  }
0x3: {  	s3 =	rddreg [dreg:$0x1];
	s0 =	stileid.u32;
	s1 =	sand.u32 $0x10, s1  }
0x4: {  	s6 =	simm.s32 $0x1;
	s31 =	simm.s32 $0x2;
	s1 =	sor.u32 s0, s1  }
0x5: {  	s13 =	simm.s32 $0x0;
	s9 =	simm.s32 $0x20000;
	s2 =	sshll.u32 s1, $0x1  }
0x6: {  	s14 =	simm.s32 $0x0;
	s10 =	simm.s32 $0x0;
	s4 =	ssub.s32 $0x40, s2  }
0x7: {  	s12 =	simm.s32 $0x0;
	s1 =	rddreg [dreg:$0x2];
	s5 =	sand.u32 $0x3E, s4  }
.Ltmp0:
0x8: {  	_ =	strace $0x8000004D;
	p0 =	sne.s32 s5, $0x0;
	(pc) =	sbr.rel .LBB1_1-.Ltmp0, $4  }
0x9: {  	s11 =	smov.u32 s2;
	s8 =	sshrl.u32 s4, $0x6;
	s6 =	simm.s32 @!p0 $0x0  }
0xa: {  	s4 =	sadd.s32 $0x80D600, s7;
	s5 =	simm.s32 $0x1;
	s6 =	sadd.s32 s6, s8  }
0xb: {  	s7 =	sadd.s32 $0x84D600, s7;
	[sflag:s5] =	ssyncpa.u1 $0x0;
	s6 =	sshll.u32 s6, $0x7  }
0xc: {  	p0 =	por $0x0, $0x0;
	[sflag:s31] =	ssyncpa.u1 $0x0;
	s8 =	sor.u32 $0x1, s6  }
.LBB1_7:
0xd: {  	s15 =	sadd.s32 $0x80, s10  }
0xe: {  	s13 =	sadd.s32 $0x40, s11;
	s17 =	smov.u32 s11;
	p2 =	sgt.s32 s15, $0x3FFF  }
0xf: {  	s17 =	smov.u32 @p2 s13  }
0x10: {  	s15 =	simm.s32 @p2 $0x0;
	p2 =	sgt.s32 s17, $0x3F  }
0x11: {  	s17 =	smov.u32 @p2 s2;
	p2 =	sne.s32 s12, s8  }
.Ltmp1:
0x12: {  	p1 =	slt.u32 s12, $0x2;
	(pc) =	sbr.rel @!p2 .LBB1_8-.Ltmp1, $4  }
0x13: {  	s16 =	simm.s32 @!p1 $0x2  }
0x14: {  	s14 =	smov.u32 s11;
	p0 =	por !p0, !p0;
	_ =	swait.ge @!p1 [sflag:s16], $0x4000  }
0x15: {  	s13 =	smov.u32 s10;
	[sflag:s16] =	ssyncset.done @!p1 $0x0;
	s10 =	smov.u32 s15  }
0x16: {  	s12 =	sadd.s32 $0x1, s12;
	[sflag:s16] =	ssyncadd.s32 @!p1 $0xFFFFC000;
	s11 =	smov.u32 s17  }
.LBB1_1:
0x17: {  	p1 =	sge.u32 s12, s6  }
0x18: {  	s15 =	sxor.u32 @!p1 $0xFFFFFFFF, s12;
	s16 =	sshll.u32 @!p1 s11, $0x12  }
0x19: {  	s17 =	sshll.u32 @!p1 s10, $0x4;
	s19 =	simm.s32 @!p1 $0x40;
	s20 =	simm.s32 @!p1 $0x80  }
0x1a: {  	s15 =	sshll.u32 @!p1 s15, $0xE;
	s17 =	sand.u32 @!p1 $0x3FFF0, s17;
	s18 =	sadd.s32 @!p1 s4, s16  }
0x1b: {  	s16 =	sadd.s32 @!p1 s16, s7;
	s15 =	sand.u32 @!p1 $0x4000, s15;
	s18 =	sadd.s32 @!p1 s17, s18  }
0x1c: {  	[tilespmem:s15], [sflag:$0x1] =	stream.strided.gather @!p1 [hbm4b:s18+s19], $0x2000, s20, s19, $0x38;
	[tilespmem:$0x10100] =	vst v63  }
0x1d: {  	s31 =	sadd.s32 $0xFFFFFFFF, s12;
	s16 =	sadd.s32 @!p1 s17, s16;
	s15 =	sor.u32 @!p1 $0x2000, s15  }
0x1e: {  	[tilespmem:s15], [sflag:$0x1] =	stream.strided.gather @!p1 [hbm4b:s16+s19], $0x2000, s20, s19, $0x38;
	[tilespmem:$0x10100] =	vst v63  }
0x1f: {  	p1 =	sge.u32 s31, s6  }
.Ltmp2:
0x20: {  	_ = 	snop;
	(pc) =	sbr.rel @p1 .LBB1_7-.Ltmp2, $1  }
0x21: {  	_ =	sdelay $0x3  }
0x22: {  	s15 =	simm.s32 $0x1;
	s17 =	sand.u32 $0x1, s12  }
0x23: {  	_ =	swait.ge [sflag:s5], $0x4000;
	s15 =	simm.s32 @!p0 $0x0;
	s17 =	smul.u32 $0x10200, s17  }
0x24: {  	p2 =	por $0x1, $0x1;
	[sflag:s5] =	ssyncset.done $0x0;
	s16 =	smul.u32 $0x10200, s15  }
0x25: {  	s18 =	sshll.u32 s15, $0x10;
	[sflag:s5] =	ssyncadd.s32 $0xFFFFC000;
	s30 =	sshrl.u32 s17, $0x2  }
0x26: {  	s31 =	sshrl.u32 s18, $0x2;
	s18 =	simm.s32 $0x0;
	s16 =	sshrl.u32 s16, $0x2  }
0x27: {  	s15 =	sor.u32 $0x8000, s30;
	s17 =	sadd.s32 $0x20, s31;
	s16 =	sor.u32 $0x8000, s16  }
.LBB1_3:
0x28: {  	s19 =	sshll.u32 s18, $0xD  }
0x29: {  	s19 =	sand.u32 $0x3FFFE000, s19  }
0x2a: {  	s21 =	sadd.s32 s19, s17  }
0x2b: {  	s31 =	smul.u32 $0x8100, s18;
	v3 =	vld [tilespmem:s21+$0x10]  }
0x2c: {  	v1 =	vld [tilespmem:s21+$0xFFFFFFF0]  }
0x2d: {  	s18 =	sshra.s32 s31, $0x2;
	v0 =	vld [tilespmem:s21+$0x0]  }
0x2e: {  	s18 =	sadd.s32 s18, s16;
	v2 =	vld [tilespmem:s21+$0xFFFFFFE0]  }
0x2f: {  	s19 =	sadd.s32 $0x0, s18  }
0x30: {  	p1 =	por p2, p2;
	s20 =	simm.s32 $0x4;
	s21 =	sadd.s32 $0x40, s21;
	[tilespmem:s19+$0x1830 ss:$0x81] =	vst.msk $0xffff, v3  }
.LBB1_4:
0x31: {  	v3 =	vld [tilespmem:s21+$0x10];
	p2 =	sne.s32 s20, $0x1FC;
	[tilespmem:s19+$0x810 ss:$0x81] =	vst.msk $0xffff, v1;
	s22 =	smov.u32 s20;
	s20 =	sadd.s32 $0x4, s20  }
.Ltmp3:
0x32: {  	v1 =	vld [tilespmem:s21+$0xFFFFFFF0];
	[tilespmem:s19+$0x1020 ss:$0x81] =	vst.msk $0xffff, v0;
	(pc) =	sbr.rel @p2 .LBB1_4-.Ltmp3, $4  }
0x33: {  	v0 =	vld [tilespmem:s21+$0x0];
	[tilespmem:s19+$0x0 ss:$0x81] =	vst.msk $0xffff, v2  }
0x34: {  	s19 =	sshra.s32 s22, $0x2;
	v2 =	vld [tilespmem:s21+$0xFFFFFFE0]  }
0x35: {  	s19 =	sadd.s32 s19, s18  }
0x36: {  	s21 =	sadd.s32 $0x40, s21;
	[tilespmem:s19+$0x1830 ss:$0x81] =	vst.msk $0xffff, v3  }
.Ltmp4:
0x37: {  	(pc) =	sbr.rel @p1 .LBB1_3-.Ltmp4, $4  }
0x38: {  	_ = 	snop  }
0x39: {  	[tilespmem:s19+$0x810 ss:$0x81] =	vst.msk $0xffff, v1  }
0x3a: {  	[tilespmem:s19+$0x1020 ss:$0x81] =	vst.msk $0xffff, v0  }
0x3b: {  	s18 =	simm.s32 $0x1;
	p2 =	por $0x0, $0x0;
	[tilespmem:s19+$0x0 ss:$0x81] =	vst.msk $0xffff, v2  }
0x3c: {  	s16 =	sshll.u32 s13, $0x3;
	s17 =	sand.u32 $0x78, s13;
	s14 =	sshll.u32 s14, $0x11  }
.Ltmp5:
0x3d: {  	s30 =	sand.u32 $0x1F800, s13;
	s16 =	sand.u32 $0x3C00, s16;
	(pc) =	sbr.rel .LBB1_7-.Ltmp5, $4  }
0x3e: {  	s31 =	sand.u32 $0x7, s13;
	s14 =	sadd.s32 s3, s14;
	s16 =	sor.u32 s17, s16  }
0x3f: {  	s13 =	sshll.u32 s31, $0x12;
	s14 =	sadd.s32 s30, s14;
	s16 =	sshrl.u32 s16, $0x3  }
0x40: {  	s13 =	sor.u32 $0x400, s13;
	s14 =	sadd.s32 s16, s14  }
0x41: {  	[hbm4b:s14+s13] =	stream.strided.scatter [tilespmem:s15], [sflag:$0x2], $0x4000, s9, s13, $0x20;
	[tilespmem:$0x10100] =	vst v63  }
.LBB1_8:
0x42: {  	_ =	sfence.sel $0x180000  }
0x43: {  	s2 =	simm.s32 $0x1;
	[bflag:$0x0] =	sbarrier.arrive $0xFFFF  }
0x44: {  	s31 =	simm.s32 $0x2;
	[sflag:s2] =	ssyncpa.u1 $0x1  }
0x45: {  	[sflag:s31] =	ssyncpa.u1 $0x1  }
0x46: {  	p0 =	sne.s32 s0, $0x0;
	_ =	strace $0x9000004D  }
0x47: {  	s0 =	sadd.s32 @!p0 $0x100000, s1;
	[bflag:$0x2] =	sbarrier.arrive $0xFFFF  }
0x48: {  	[sflag:s0] =	ssyncadd.tile.s32 @!p0 $0x1;
	_ =	shalt  }
.Lfunc_end1:
_tile_overlayer_lowered:
.L_overlay_start_2:
0x49: {  	(tag) =	ssettag $0x2  }
0x4a: {  	s0 =	rddreg [dreg:$0x0];
	s2 =	stileid.u32  }
0x4b: {  	s1 =	rddreg [dreg:$0x1];
	p0 =	sne.s32 s2, $0x0  }
0x4c: {  	s3 =	rddreg [dreg:$0x2];
	[bflag:$0x3] =	sbarrier.arrive $0xFFFF;
	s2 =	simm.s32 @!p0 $0x1C01  }
0x4d: {  	[timem:s3], [sflag:s2] =	dma.local @!p0 [hbm:s0], s1  }
0x4e: {  	s0 =	simm.s32 @!p0 $0x1  }
0x4f: {  	_ =	swait.ge @!p0 [sflag:s0], s1  }
0x50: {  	s1 =	ssub.s32 @!p0 $0x0, s1;
	[sflag:s0] =	ssyncset.done @!p0 $0x0  }
0x51: {  	[sflag:s0] =	ssyncadd.s32 @!p0 s1  }
0x52: {  	[bflag:$0x3] =	sbarrier.arrive $0xFFFF  }
0x53: {  	_ =	shalt  }

</sc_bundles>
